<compile_context>
chip_gen: v7x
topology: tpu7x:2x2x1
jax: 0.10.2.dev20260603
libtpu: 0.0.44.dev20260713+nightly
codegen_flags: <defaults>
</compile_context>

<pallas_src>
import functools

import jax
import jax.numpy as jnp
from jax import lax
from jax.experimental import pallas as pl
from jax.experimental.pallas import tpu as pltpu
from jax.experimental.pallas import tpu_sc as plsc

DIM = 128
CHUNK = 128
NUM_CORES = 2
NUM_SUBCORES = 16
NW = NUM_CORES * NUM_SUBCORES


@functools.partial(jax.jit, static_argnums=(0, 1))
def _run(B, num_neg, user_weight, user_ids, item_weight, item_ids, ne_flat):
    n_chunks = 2 + num_neg
    total = n_chunks * B

    mesh = plsc.VectorSubcoreMesh(core_axis_name="c", subcore_axis_name="s")

    @functools.partial(
        pl.kernel,
        mesh=mesh,
        out_type=jax.ShapeDtypeStruct((n_chunks, B, DIM), jnp.float32),
        scratch_types=[
            pltpu.VMEM((n_chunks, CHUNK), jnp.int32),
            pltpu.VMEM((n_chunks * CHUNK, DIM), jnp.float32),
            *[pltpu.SemaphoreType.DMA for _ in range(n_chunks)],
            *[pltpu.SemaphoreType.DMA for _ in range(n_chunks)],
            pltpu.SemaphoreType.DMA,
        ],
    )
    def k(uw_hbm, uid_hbm, iw_hbm, iid_hbm, ne_hbm, out_hbm,
          idx_v, rows_v, *sems):
        isems = sems[:n_chunks]
        gsems = sems[n_chunks:2 * n_chunks]
        osem = sems[2 * n_chunks]
        wid = lax.axis_index("s") * NUM_CORES + lax.axis_index("c")
        base = wid * CHUNK
        idx_srcs = [uid_hbm, iid_hbm] + [ne_hbm] * num_neg
        icopies = []
        for c, src in enumerate(idx_srcs):
            off = base if c < 2 else (c - 2) * B + base
            icopies.append(pltpu.async_copy(
                src.at[pl.ds(off, CHUNK)], idx_v.at[c], isems[c]))
        gathers = []
        for c in range(n_chunks):
            table = uw_hbm if c == 0 else iw_hbm
            icopies[c].wait()
            gathers.append(pltpu.async_copy(
                table.at[idx_v.at[c]],
                rows_v.at[pl.ds(c * CHUNK, CHUNK)], gsems[c]))
        writes = []
        for c in range(n_chunks):
            gathers[c].wait()
            writes.append(pltpu.async_copy(
                rows_v.at[pl.ds(c * CHUNK, CHUNK)],
                out_hbm.at[c, pl.ds(base, CHUNK)], osem))
        for w in writes:
            w.wait()

    return k(user_weight, user_ids, item_weight, item_ids, ne_flat)


def kernel(user_weight, user_ids, item_weight, item_ids, ne_item_ids):
    B = user_ids.shape[0]
    num_neg = ne_item_ids.shape[0]
    return _run(B, num_neg,
                user_weight, user_ids.astype(jnp.int32),
                item_weight, item_ids.astype(jnp.int32),
                ne_item_ids.astype(jnp.int32).reshape(-1))

# --- scband reference (transcript-rebuilt; emitter-appended) ---
"""Pipeline reference for scband-partitioned-embedding-52218212385093 (READ-ONLY COPY).

The authoritative reference and input builder live on the scoring server;
editing this copy changes nothing except your own understanding.
"""

import jax, jax.numpy as jnp
import numpy as np

NUM_USERS = 100000
NUM_ITEMS = 100000
DIM = 128
BATCH = 4096
NUM_NEG = 4

def setup_inputs(seed: int = 0):
    key = jax.random.key(seed)
    k1, k2, k3, k4, k5 = jax.random.split(key, 5)
    user_ids = jax.random.randint(k1, (BATCH,), 0, NUM_USERS, dtype=jnp.int64) if jax.config.jax_enable_x64 else jax.random.randint(k1, (BATCH,), 0, NUM_USERS, dtype=jnp.int32)
    item_ids = jax.random.randint(k2, (BATCH,), 0, NUM_ITEMS, dtype=user_ids.dtype)
    ne_item_ids = jax.random.randint(k3, (NUM_NEG, BATCH), 0, NUM_ITEMS, dtype=user_ids.dtype)
    user_weight = jax.random.normal(k4, (NUM_USERS, DIM), dtype=jnp.float32) * 0.02
    item_weight = jax.random.normal(k5, (NUM_ITEMS, DIM), dtype=jnp.float32) * 0.02
    return {"user_weight": user_weight, "user_ids": user_ids, "item_weight": item_weight, "item_ids": item_ids, "ne_item_ids": ne_item_ids}

def reference(user_weight, user_ids, item_weight, item_ids, ne_item_ids):
    # Single-rank (world_size == 1) execution of _PartitionedEmbeddingRegion.forward.
    # With one partition: all_gather is identity, vocab range covers the full table,
    # and the packed-input path reduces to masked gathers + concatenation.
    B = user_ids.shape[0]
    num_neg = ne_item_ids.shape[0]
    num_of_batch = 2 + num_neg
    # pack inputs: [user_ids | item_ids | neg_0 | ... | neg_{n-1}]
    packet = jnp.concatenate([
        user_ids.reshape(1, -1),
        item_ids.reshape(1, -1),
        ne_item_ids.reshape(num_neg, -1),
    ], axis=0)  # (num_of_batch, B)

    user_vs, user_ve = 0, user_weight.shape[0]
    item_vs, item_ve = 0, item_weight.shape[0]

    def retrieve_embedding(weight, all_inputs, vs, ve):
        input_mask = (all_inputs < vs) | (all_inputs >= ve)
        shifted = all_inputs - vs
        safe = jnp.where(input_mask, 0, shifted)
        out = jnp.take(weight, safe, axis=0)
        out = jnp.where(input_mask[:, None], jnp.zeros((), dtype=weight.dtype), out)
        return out

    user_emb = retrieve_embedding(user_weight, packet[0], user_vs, user_ve)              # (B, DIM)
    item_emb = retrieve_embedding(item_weight, packet[1:].reshape(-1), item_vs, item_ve)  # ((1+num_neg)*B, DIM)
    embedding_all = jnp.concatenate([user_emb, item_emb], axis=0)
    embedding_all = embedding_all.reshape(num_of_batch, B, -1)  # (2+num_neg, B, DIM)
    return embedding_all

if __name__ == "__main__":
    import jax
    _d = setup_inputs()
    print(jax.jit(kernel)(*tuple(_d.values())))

</pallas_src>

<mosaic_0001>
#map = affine_map<(d0, d1) -> (0, 0)>
#map1 = affine_map<(d0, d1) -> (0)>
#map2 = affine_map<(d0, d1) -> (0, 0, 0)>
module attributes {stable_mosaic.version = 14 : i64} {
  func.func @k(%arg0: i32, %arg1: i32, %arg2: memref<100000x128xf32, #tpu.memory_space<hbm>>, %arg3: memref<4096xi32, #tpu.memory_space<hbm>>, %arg4: memref<100000x128xf32, #tpu.memory_space<hbm>>, %arg5: memref<4096xi32, #tpu.memory_space<hbm>>, %arg6: memref<16384xi32, #tpu.memory_space<hbm>>, %arg7: memref<6x4096x128xf32, #tpu.memory_space<hbm>>, %arg8: memref<6x128xi32, #tpu.memory_space<vmem>>, %arg9: memref<768x128xf32, #tpu.memory_space<vmem>>, %arg10: memref<!tpu.dma_semaphore, #tpu.memory_space<semaphore_mem>>, %arg11: memref<!tpu.dma_semaphore, #tpu.memory_space<semaphore_mem>>, %arg12: memref<!tpu.dma_semaphore, #tpu.memory_space<semaphore_mem>>, %arg13: memref<!tpu.dma_semaphore, #tpu.memory_space<semaphore_mem>>, %arg14: memref<!tpu.dma_semaphore, #tpu.memory_space<semaphore_mem>>, %arg15: memref<!tpu.dma_semaphore, #tpu.memory_space<semaphore_mem>>, %arg16: memref<!tpu.dma_semaphore, #tpu.memory_space<semaphore_mem>>, %arg17: memref<!tpu.dma_semaphore, #tpu.memory_space<semaphore_mem>>, %arg18: memref<!tpu.dma_semaphore, #tpu.memory_space<semaphore_mem>>, %arg19: memref<!tpu.dma_semaphore, #tpu.memory_space<semaphore_mem>>, %arg20: memref<!tpu.dma_semaphore, #tpu.memory_space<semaphore_mem>>, %arg21: memref<!tpu.dma_semaphore, #tpu.memory_space<semaphore_mem>>, %arg22: memref<!tpu.dma_semaphore, #tpu.memory_space<semaphore_mem>>) attributes {dimension_semantics = [#tpu.dimension_semantics<core_parallel>, #tpu.dimension_semantics<subcore_parallel>], iteration_bounds = array<i64: 2, 16>, scalar_prefetch = 0 : i64, scratch_operands = 15 : i64, tpu.core_type = #tpu.core_type<sc_vector_subcore>, window_params = [{transform_indices = #map}, {transform_indices = #map1}, {transform_indices = #map}, {transform_indices = #map1}, {transform_indices = #map1}, {transform_indices = #map2}]} {
    %mul3A = arith.constant 2 : i32
    %mul3A_0 = arith.muli %arg1, %mul3A : i32
    %add3A = arith.addi %mul3A_0, %arg0 : i32
    %mul3A_1 = arith.constant 128 : i32
    %mul3A_2 = arith.muli %add3A, %mul3A_1 : i32
    %dma_start3A = arith.constant 0 : i32
    %dma_start3A_3 = arith.constant 0 : i32
    %dma_start3A_4 = tpu.memref_slice %arg8[%dma_start3A, %dma_start3A_3] : memref<6x128xi32, #tpu.memory_space<vmem>> -> memref<1x128xi32, #tpu.memory_space<vmem>>
    %dma_start3A_5 = tpu.memref_squeeze %dma_start3A_4 : memref<1x128xi32, #tpu.memory_space<vmem>> -> memref<128xi32, #tpu.memory_space<vmem>>
    %dma_start3A_6 = tpu.memref_slice %arg3[%mul3A_2] : memref<4096xi32, #tpu.memory_space<hbm>> -> memref<128xi32, #tpu.memory_space<hbm>>
    %dma_start3A_7 = arith.constant 0 : i32
    %dma_start3A_8 = tpu.memref_slice %arg8[%dma_start3A, %dma_start3A_7] : memref<6x128xi32, #tpu.memory_space<vmem>> -> memref<1x128xi32, #tpu.memory_space<vmem>>
    %dma_start3A_9 = tpu.memref_squeeze %dma_start3A_8 : memref<1x128xi32, #tpu.memory_space<vmem>> -> memref<128xi32, #tpu.memory_space<vmem>>
    %dma_start3A_10 = tpu.memref_slice %arg3[%mul3A_2] : memref<4096xi32, #tpu.memory_space<hbm>> -> memref<128xi32, #tpu.memory_space<hbm>>
    tpu.enqueue_dma source(%dma_start3A_10 : memref<128xi32, #tpu.memory_space<hbm>>) target(%dma_start3A_9 : memref<128xi32, #tpu.memory_space<vmem>>) target_semaphore(%arg10 : memref<!tpu.dma_semaphore, #tpu.memory_space<semaphore_mem>>)
    %dma_start3A_11 = arith.constant 1 : i32
    %dma_start3A_12 = arith.constant 0 : i32
    %dma_start3A_13 = tpu.memref_slice %arg8[%dma_start3A_11, %dma_start3A_12] : memref<6x128xi32, #tpu.memory_space<vmem>> -> memref<1x128xi32, #tpu.memory_space<vmem>>
    %dma_start3A_14 = tpu.memref_squeeze %dma_start3A_13 : memref<1x128xi32, #tpu.memory_space<vmem>> -> memref<128xi32, #tpu.memory_space<vmem>>
    %dma_start3A_15 = tpu.memref_slice %arg5[%mul3A_2] : memref<4096xi32, #tpu.memory_space<hbm>> -> memref<128xi32, #tpu.memory_space<hbm>>
    %dma_start3A_16 = arith.constant 0 : i32
    %dma_start3A_17 = tpu.memref_slice %arg8[%dma_start3A_11, %dma_start3A_16] : memref<6x128xi32, #tpu.memory_space<vmem>> -> memref<1x128xi32, #tpu.memory_space<vmem>>
    %dma_start3A_18 = tpu.memref_squeeze %dma_start3A_17 : memref<1x128xi32, #tpu.memory_space<vmem>> -> memref<128xi32, #tpu.memory_space<vmem>>
    %dma_start3A_19 = tpu.memref_slice %arg5[%mul3A_2] : memref<4096xi32, #tpu.memory_space<hbm>> -> memref<128xi32, #tpu.memory_space<hbm>>
    tpu.enqueue_dma source(%dma_start3A_19 : memref<128xi32, #tpu.memory_space<hbm>>) target(%dma_start3A_18 : memref<128xi32, #tpu.memory_space<vmem>>) target_semaphore(%arg11 : memref<!tpu.dma_semaphore, #tpu.memory_space<semaphore_mem>>)
    %add3A_20 = arith.constant 0 : i32
    %add3A_21 = arith.addi %add3A_20, %mul3A_2 : i32
    %dma_start3A_22 = arith.constant 2 : i32
    %dma_start3A_23 = arith.constant 0 : i32
    %dma_start3A_24 = tpu.memref_slice %arg8[%dma_start3A_22, %dma_start3A_23] : memref<6x128xi32, #tpu.memory_space<vmem>> -> memref<1x128xi32, #tpu.memory_space<vmem>>
    %dma_start3A_25 = tpu.memref_squeeze %dma_start3A_24 : memref<1x128xi32, #tpu.memory_space<vmem>> -> memref<128xi32, #tpu.memory_space<vmem>>
    %dma_start3A_26 = tpu.memref_slice %arg6[%add3A_21] : memref<16384xi32, #tpu.memory_space<hbm>> -> memref<128xi32, #tpu.memory_space<hbm>>
    %dma_start3A_27 = arith.constant 0 : i32
    %dma_start3A_28 = tpu.memref_slice %arg8[%dma_start3A_22, %dma_start3A_27] : memref<6x128xi32, #tpu.memory_space<vmem>> -> memref<1x128xi32, #tpu.memory_space<vmem>>
    %dma_start3A_29 = tpu.memref_squeeze %dma_start3A_28 : memref<1x128xi32, #tpu.memory_space<vmem>> -> memref<128xi32, #tpu.memory_space<vmem>>
    %dma_start3A_30 = tpu.memref_slice %arg6[%add3A_21] : memref<16384xi32, #tpu.memory_space<hbm>> -> memref<128xi32, #tpu.memory_space<hbm>>
    tpu.enqueue_dma source(%dma_start3A_30 : memref<128xi32, #tpu.memory_space<hbm>>) target(%dma_start3A_29 : memref<128xi32, #tpu.memory_space<vmem>>) target_semaphore(%arg12 : memref<!tpu.dma_semaphore, #tpu.memory_space<semaphore_mem>>)
    %add3A_31 = arith.constant 4096 : i32
    %add3A_32 = arith.addi %add3A_31, %mul3A_2 : i32
    %dma_start3A_33 = arith.constant 3 : i32
    %dma_start3A_34 = arith.constant 0 : i32
    %dma_start3A_35 = tpu.memref_slice %arg8[%dma_start3A_33, %dma_start3A_34] : memref<6x128xi32, #tpu.memory_space<vmem>> -> memref<1x128xi32, #tpu.memory_space<vmem>>
    %dma_start3A_36 = tpu.memref_squeeze %dma_start3A_35 : memref<1x128xi32, #tpu.memory_space<vmem>> -> memref<128xi32, #tpu.memory_space<vmem>>
    %dma_start3A_37 = tpu.memref_slice %arg6[%add3A_32] : memref<16384xi32, #tpu.memory_space<hbm>> -> memref<128xi32, #tpu.memory_space<hbm>>
    %dma_start3A_38 = arith.constant 0 : i32
    %dma_start3A_39 = tpu.memref_slice %arg8[%dma_start3A_33, %dma_start3A_38] : memref<6x128xi32, #tpu.memory_space<vmem>> -> memref<1x128xi32, #tpu.memory_space<vmem>>
    %dma_start3A_40 = tpu.memref_squeeze %dma_start3A_39 : memref<1x128xi32, #tpu.memory_space<vmem>> -> memref<128xi32, #tpu.memory_space<vmem>>
    %dma_start3A_41 = tpu.memref_slice %arg6[%add3A_32] : memref<16384xi32, #tpu.memory_space<hbm>> -> memref<128xi32, #tpu.memory_space<hbm>>
    tpu.enqueue_dma source(%dma_start3A_41 : memref<128xi32, #tpu.memory_space<hbm>>) target(%dma_start3A_40 : memref<128xi32, #tpu.memory_space<vmem>>) target_semaphore(%arg13 : memref<!tpu.dma_semaphore, #tpu.memory_space<semaphore_mem>>)
    %add3A_42 = arith.constant 8192 : i32
    %add3A_43 = arith.addi %add3A_42, %mul3A_2 : i32
    %dma_start3A_44 = arith.constant 4 : i32
    %dma_start3A_45 = arith.constant 0 : i32
    %dma_start3A_46 = tpu.memref_slice %arg8[%dma_start3A_44, %dma_start3A_45] : memref<6x128xi32, #tpu.memory_space<vmem>> -> memref<1x128xi32, #tpu.memory_space<vmem>>
    %dma_start3A_47 = tpu.memref_squeeze %dma_start3A_46 : memref<1x128xi32, #tpu.memory_space<vmem>> -> memref<128xi32, #tpu.memory_space<vmem>>
    %dma_start3A_48 = tpu.memref_slice %arg6[%add3A_43] : memref<16384xi32, #tpu.memory_space<hbm>> -> memref<128xi32, #tpu.memory_space<hbm>>
    %dma_start3A_49 = arith.constant 0 : i32
    %dma_start3A_50 = tpu.memref_slice %arg8[%dma_start3A_44, %dma_start3A_49] : memref<6x128xi32, #tpu.memory_space<vmem>> -> memref<1x128xi32, #tpu.memory_space<vmem>>
    %dma_start3A_51 = tpu.memref_squeeze %dma_start3A_50 : memref<1x128xi32, #tpu.memory_space<vmem>> -> memref<128xi32, #tpu.memory_space<vmem>>
    %dma_start3A_52 = tpu.memref_slice %arg6[%add3A_43] : memref<16384xi32, #tpu.memory_space<hbm>> -> memref<128xi32, #tpu.memory_space<hbm>>
    tpu.enqueue_dma source(%dma_start3A_52 : memref<128xi32, #tpu.memory_space<hbm>>) target(%dma_start3A_51 : memref<128xi32, #tpu.memory_space<vmem>>) target_semaphore(%arg14 : memref<!tpu.dma_semaphore, #tpu.memory_space<semaphore_mem>>)
    %add3A_53 = arith.constant 12288 : i32
    %add3A_54 = arith.addi %add3A_53, %mul3A_2 : i32
    %dma_start3A_55 = arith.constant 5 : i32
    %dma_start3A_56 = arith.constant 0 : i32
    %dma_start3A_57 = tpu.memref_slice %arg8[%dma_start3A_55, %dma_start3A_56] : memref<6x128xi32, #tpu.memory_space<vmem>> -> memref<1x128xi32, #tpu.memory_space<vmem>>
    %dma_start3A_58 = tpu.memref_squeeze %dma_start3A_57 : memref<1x128xi32, #tpu.memory_space<vmem>> -> memref<128xi32, #tpu.memory_space<vmem>>
    %dma_start3A_59 = tpu.memref_slice %arg6[%add3A_54] : memref<16384xi32, #tpu.memory_space<hbm>> -> memref<128xi32, #tpu.memory_space<hbm>>
    %dma_start3A_60 = arith.constant 0 : i32
    %dma_start3A_61 = tpu.memref_slice %arg8[%dma_start3A_55, %dma_start3A_60] : memref<6x128xi32, #tpu.memory_space<vmem>> -> memref<1x128xi32, #tpu.memory_space<vmem>>
    %dma_start3A_62 = tpu.memref_squeeze %dma_start3A_61 : memref<1x128xi32, #tpu.memory_space<vmem>> -> memref<128xi32, #tpu.memory_space<vmem>>
    %dma_start3A_63 = tpu.memref_slice %arg6[%add3A_54] : memref<16384xi32, #tpu.memory_space<hbm>> -> memref<128xi32, #tpu.memory_space<hbm>>
    tpu.enqueue_dma source(%dma_start3A_63 : memref<128xi32, #tpu.memory_space<hbm>>) target(%dma_start3A_62 : memref<128xi32, #tpu.memory_space<vmem>>) target_semaphore(%arg15 : memref<!tpu.dma_semaphore, #tpu.memory_space<semaphore_mem>>)
    %dma_wait3A = arith.constant 0 : i32
    %dma_wait3A_64 = arith.constant 0 : i32
    %dma_wait3A_65 = tpu.memref_slice %arg8[%dma_wait3A, %dma_wait3A_64] : memref<6x128xi32, #tpu.memory_space<vmem>> -> memref<1x128xi32, #tpu.memory_space<vmem>>
    %dma_wait3A_66 = tpu.memref_squeeze %dma_wait3A_65 : memref<1x128xi32, #tpu.memory_space<vmem>> -> memref<128xi32, #tpu.memory_space<vmem>>
    %dma_wait3A_67 = tpu.memref_slice %arg3[%mul3A_2] : memref<4096xi32, #tpu.memory_space<hbm>> -> memref<128xi32, #tpu.memory_space<hbm>>
    %dma_wait3A_68 = arith.constant 0 : i32
    %dma_wait3A_69 = tpu.memref_slice %arg8[%dma_wait3A, %dma_wait3A_68] : memref<6x128xi32, #tpu.memory_space<vmem>> -> memref<1x128xi32, #tpu.memory_space<vmem>>
    %dma_wait3A_70 = tpu.memref_squeeze %dma_wait3A_69 : memref<1x128xi32, #tpu.memory_space<vmem>> -> memref<128xi32, #tpu.memory_space<vmem>>
    %dma_wait3A_71 = tpu.memref_slice %arg3[%mul3A_2] : memref<4096xi32, #tpu.memory_space<hbm>> -> memref<128xi32, #tpu.memory_space<hbm>>
    tpu.wait_dma2 semaphore(%arg10 : memref<!tpu.dma_semaphore, #tpu.memory_space<semaphore_mem>>) src(%dma_wait3A_71 : memref<128xi32, #tpu.memory_space<hbm>>) dst(%dma_wait3A_70 : memref<128xi32, #tpu.memory_space<vmem>>)
    %dma_start3A_72 = arith.constant 0 : i32
    %dma_start3A_73 = arith.constant 0 : i32
    %dma_start3A_74 = arith.constant 0 : i32
    %dma_start3A_75 = tpu.memref_slice %arg9[%dma_start3A_73, %dma_start3A_74] : memref<768x128xf32, #tpu.memory_space<vmem>> -> memref<128x128xf32, #tpu.memory_space<vmem>>
    %dma_start3A_76 = arith.constant 0 : i32
    %dma_start3A_77 = tpu.memref_slice %arg8[%dma_start3A_72, %dma_start3A_76] : memref<6x128xi32, #tpu.memory_space<vmem>> -> memref<1x128xi32, #tpu.memory_space<vmem>>
    %dma_start3A_78 = tpu.memref_squeeze %dma_start3A_77 : memref<1x128xi32, #tpu.memory_space<vmem>> -> memref<128xi32, #tpu.memory_space<vmem>>
    %dma_start3A_79 = arith.constant 0 : i32
    %dma_start3A_80 = arith.constant 0 : i32
    %dma_start3A_81 = tpu.memref_slice %arg2[%dma_start3A_79, %dma_start3A_80] : memref<100000x128xf32, #tpu.memory_space<hbm>> -> memref<100000x128xf32, #tpu.memory_space<hbm>>
    tpu.enqueue_indirect_dma source(%dma_start3A_81 : memref<100000x128xf32, #tpu.memory_space<hbm>>) target(%dma_start3A_75 : memref<128x128xf32, #tpu.memory_space<vmem>>) offsets(%dma_start3A_78 : memref<128xi32, #tpu.memory_space<vmem>>) semaphore(%arg16 : memref<!tpu.dma_semaphore, #tpu.memory_space<semaphore_mem>>)
    %dma_wait3A_82 = arith.constant 1 : i32
    %dma_wait3A_83 = arith.constant 0 : i32
    %dma_wait3A_84 = tpu.memref_slice %arg8[%dma_wait3A_82, %dma_wait3A_83] : memref<6x128xi32, #tpu.memory_space<vmem>> -> memref<1x128xi32, #tpu.memory_space<vmem>>
    %dma_wait3A_85 = tpu.memref_squeeze %dma_wait3A_84 : memref<1x128xi32, #tpu.memory_space<vmem>> -> memref<128xi32, #tpu.memory_space<vmem>>
    %dma_wait3A_86 = tpu.memref_slice %arg5[%mul3A_2] : memref<4096xi32, #tpu.memory_space<hbm>> -> memref<128xi32, #tpu.memory_space<hbm>>
    %dma_wait3A_87 = arith.constant 0 : i32
    %dma_wait3A_88 = tpu.memref_slice %arg8[%dma_wait3A_82, %dma_wait3A_87] : memref<6x128xi32, #tpu.memory_space<vmem>> -> memref<1x128xi32, #tpu.memory_space<vmem>>
    %dma_wait3A_89 = tpu.memref_squeeze %dma_wait3A_88 : memref<1x128xi32, #tpu.memory_space<vmem>> -> memref<128xi32, #tpu.memory_space<vmem>>
    %dma_wait3A_90 = tpu.memref_slice %arg5[%mul3A_2] : memref<4096xi32, #tpu.memory_space<hbm>> -> memref<128xi32, #tpu.memory_space<hbm>>
    tpu.wait_dma2 semaphore(%arg11 : memref<!tpu.dma_semaphore, #tpu.memory_space<semaphore_mem>>) src(%dma_wait3A_90 : memref<128xi32, #tpu.memory_space<hbm>>) dst(%dma_wait3A_89 : memref<128xi32, #tpu.memory_space<vmem>>)
    %dma_start3A_91 = arith.constant 1 : i32
    %dma_start3A_92 = arith.constant 128 : i32
    %dma_start3A_93 = arith.constant 0 : i32
    %dma_start3A_94 = tpu.memref_slice %arg9[%dma_start3A_92, %dma_start3A_93] : memref<768x128xf32, #tpu.memory_space<vmem>> -> memref<128x128xf32, #tpu.memory_space<vmem>>
    %dma_start3A_95 = arith.constant 0 : i32
    %dma_start3A_96 = tpu.memref_slice %arg8[%dma_start3A_91, %dma_start3A_95] : memref<6x128xi32, #tpu.memory_space<vmem>> -> memref<1x128xi32, #tpu.memory_space<vmem>>
    %dma_start3A_97 = tpu.memref_squeeze %dma_start3A_96 : memref<1x128xi32, #tpu.memory_space<vmem>> -> memref<128xi32, #tpu.memory_space<vmem>>
    %dma_start3A_98 = arith.constant 0 : i32
    %dma_start3A_99 = arith.constant 0 : i32
    %dma_start3A_100 = tpu.memref_slice %arg4[%dma_start3A_98, %dma_start3A_99] : memref<100000x128xf32, #tpu.memory_space<hbm>> -> memref<100000x128xf32, #tpu.memory_space<hbm>>
    tpu.enqueue_indirect_dma source(%dma_start3A_100 : memref<100000x128xf32, #tpu.memory_space<hbm>>) target(%dma_start3A_94 : memref<128x128xf32, #tpu.memory_space<vmem>>) offsets(%dma_start3A_97 : memref<128xi32, #tpu.memory_space<vmem>>) semaphore(%arg17 : memref<!tpu.dma_semaphore, #tpu.memory_space<semaphore_mem>>)
    %dma_wait3A_101 = arith.constant 2 : i32
    %dma_wait3A_102 = arith.constant 0 : i32
    %dma_wait3A_103 = tpu.memref_slice %arg8[%dma_wait3A_101, %dma_wait3A_102] : memref<6x128xi32, #tpu.memory_space<vmem>> -> memref<1x128xi32, #tpu.memory_space<vmem>>
    %dma_wait3A_104 = tpu.memref_squeeze %dma_wait3A_103 : memref<1x128xi32, #tpu.memory_space<vmem>> -> memref<128xi32, #tpu.memory_space<vmem>>
    %dma_wait3A_105 = tpu.memref_slice %arg6[%add3A_21] : memref<16384xi32, #tpu.memory_space<hbm>> -> memref<128xi32, #tpu.memory_space<hbm>>
    %dma_wait3A_106 = arith.constant 0 : i32
    %dma_wait3A_107 = tpu.memref_slice %arg8[%dma_wait3A_101, %dma_wait3A_106] : memref<6x128xi32, #tpu.memory_space<vmem>> -> memref<1x128xi32, #tpu.memory_space<vmem>>
    %dma_wait3A_108 = tpu.memref_squeeze %dma_wait3A_107 : memref<1x128xi32, #tpu.memory_space<vmem>> -> memref<128xi32, #tpu.memory_space<vmem>>
    %dma_wait3A_109 = tpu.memref_slice %arg6[%add3A_21] : memref<16384xi32, #tpu.memory_space<hbm>> -> memref<128xi32, #tpu.memory_space<hbm>>
    tpu.wait_dma2 semaphore(%arg12 : memref<!tpu.dma_semaphore, #tpu.memory_space<semaphore_mem>>) src(%dma_wait3A_109 : memref<128xi32, #tpu.memory_space<hbm>>) dst(%dma_wait3A_108 : memref<128xi32, #tpu.memory_space<vmem>>)
    %dma_start3A_110 = arith.constant 2 : i32
    %dma_start3A_111 = arith.constant 256 : i32
    %dma_start3A_112 = arith.constant 0 : i32
    %dma_start3A_113 = tpu.memref_slice %arg9[%dma_start3A_111, %dma_start3A_112] : memref<768x128xf32, #tpu.memory_space<vmem>> -> memref<128x128xf32, #tpu.memory_space<vmem>>
    %dma_start3A_114 = arith.constant 0 : i32
    %dma_start3A_115 = tpu.memref_slice %arg8[%dma_start3A_110, %dma_start3A_114] : memref<6x128xi32, #tpu.memory_space<vmem>> -> memref<1x128xi32, #tpu.memory_space<vmem>>
    %dma_start3A_116 = tpu.memref_squeeze %dma_start3A_115 : memref<1x128xi32, #tpu.memory_space<vmem>> -> memref<128xi32, #tpu.memory_space<vmem>>
    %dma_start3A_117 = arith.constant 0 : i32
    %dma_start3A_118 = arith.constant 0 : i32
    %dma_start3A_119 = tpu.memref_slice %arg4[%dma_start3A_117, %dma_start3A_118] : memref<100000x128xf32, #tpu.memory_space<hbm>> -> memref<100000x128xf32, #tpu.memory_space<hbm>>
    tpu.enqueue_indirect_dma source(%dma_start3A_119 : memref<100000x128xf32, #tpu.memory_space<hbm>>) target(%dma_start3A_113 : memref<128x128xf32, #tpu.memory_space<vmem>>) offsets(%dma_start3A_116 : memref<128xi32, #tpu.memory_space<vmem>>) semaphore(%arg18 : memref<!tpu.dma_semaphore, #tpu.memory_space<semaphore_mem>>)
    %dma_wait3A_120 = arith.constant 3 : i32
    %dma_wait3A_121 = arith.constant 0 : i32
    %dma_wait3A_122 = tpu.memref_slice %arg8[%dma_wait3A_120, %dma_wait3A_121] : memref<6x128xi32, #tpu.memory_space<vmem>> -> memref<1x128xi32, #tpu.memory_space<vmem>>
    %dma_wait3A_123 = tpu.memref_squeeze %dma_wait3A_122 : memref<1x128xi32, #tpu.memory_space<vmem>> -> memref<128xi32, #tpu.memory_space<vmem>>
    %dma_wait3A_124 = tpu.memref_slice %arg6[%add3A_32] : memref<16384xi32, #tpu.memory_space<hbm>> -> memref<128xi32, #tpu.memory_space<hbm>>
    %dma_wait3A_125 = arith.constant 0 : i32
    %dma_wait3A_126 = tpu.memref_slice %arg8[%dma_wait3A_120, %dma_wait3A_125] : memref<6x128xi32, #tpu.memory_space<vmem>> -> memref<1x128xi32, #tpu.memory_space<vmem>>
    %dma_wait3A_127 = tpu.memref_squeeze %dma_wait3A_126 : memref<1x128xi32, #tpu.memory_space<vmem>> -> memref<128xi32, #tpu.memory_space<vmem>>
    %dma_wait3A_128 = tpu.memref_slice %arg6[%add3A_32] : memref<16384xi32, #tpu.memory_space<hbm>> -> memref<128xi32, #tpu.memory_space<hbm>>
    tpu.wait_dma2 semaphore(%arg13 : memref<!tpu.dma_semaphore, #tpu.memory_space<semaphore_mem>>) src(%dma_wait3A_128 : memref<128xi32, #tpu.memory_space<hbm>>) dst(%dma_wait3A_127 : memref<128xi32, #tpu.memory_space<vmem>>)
    %dma_start3A_129 = arith.constant 3 : i32
    %dma_start3A_130 = arith.constant 384 : i32
    %dma_start3A_131 = arith.constant 0 : i32
    %dma_start3A_132 = tpu.memref_slice %arg9[%dma_start3A_130, %dma_start3A_131] : memref<768x128xf32, #tpu.memory_space<vmem>> -> memref<128x128xf32, #tpu.memory_space<vmem>>
    %dma_start3A_133 = arith.constant 0 : i32
    %dma_start3A_134 = tpu.memref_slice %arg8[%dma_start3A_129, %dma_start3A_133] : memref<6x128xi32, #tpu.memory_space<vmem>> -> memref<1x128xi32, #tpu.memory_space<vmem>>
    %dma_start3A_135 = tpu.memref_squeeze %dma_start3A_134 : memref<1x128xi32, #tpu.memory_space<vmem>> -> memref<128xi32, #tpu.memory_space<vmem>>
    %dma_start3A_136 = arith.constant 0 : i32
    %dma_start3A_137 = arith.constant 0 : i32
    %dma_start3A_138 = tpu.memref_slice %arg4[%dma_start3A_136, %dma_start3A_137] : memref<100000x128xf32, #tpu.memory_space<hbm>> -> memref<100000x128xf32, #tpu.memory_space<hbm>>
    tpu.enqueue_indirect_dma source(%dma_start3A_138 : memref<100000x128xf32, #tpu.memory_space<hbm>>) target(%dma_start3A_132 : memref<128x128xf32, #tpu.memory_space<vmem>>) offsets(%dma_start3A_135 : memref<128xi32, #tpu.memory_space<vmem>>) semaphore(%arg19 : memref<!tpu.dma_semaphore, #tpu.memory_space<semaphore_mem>>)
    %dma_wait3A_139 = arith.constant 4 : i32
    %dma_wait3A_140 = arith.constant 0 : i32
    %dma_wait3A_141 = tpu.memref_slice %arg8[%dma_wait3A_139, %dma_wait3A_140] : memref<6x128xi32, #tpu.memory_space<vmem>> -> memref<1x128xi32, #tpu.memory_space<vmem>>
    %dma_wait3A_142 = tpu.memref_squeeze %dma_wait3A_141 : memref<1x128xi32, #tpu.memory_space<vmem>> -> memref<128xi32, #tpu.memory_space<vmem>>
    %dma_wait3A_143 = tpu.memref_slice %arg6[%add3A_43] : memref<16384xi32, #tpu.memory_space<hbm>> -> memref<128xi32, #tpu.memory_space<hbm>>
    %dma_wait3A_144 = arith.constant 0 : i32
    %dma_wait3A_145 = tpu.memref_slice %arg8[%dma_wait3A_139, %dma_wait3A_144] : memref<6x128xi32, #tpu.memory_space<vmem>> -> memref<1x128xi32, #tpu.memory_space<vmem>>
    %dma_wait3A_146 = tpu.memref_squeeze %dma_wait3A_145 : memref<1x128xi32, #tpu.memory_space<vmem>> -> memref<128xi32, #tpu.memory_space<vmem>>
    %dma_wait3A_147 = tpu.memref_slice %arg6[%add3A_43] : memref<16384xi32, #tpu.memory_space<hbm>> -> memref<128xi32, #tpu.memory_space<hbm>>
    tpu.wait_dma2 semaphore(%arg14 : memref<!tpu.dma_semaphore, #tpu.memory_space<semaphore_mem>>) src(%dma_wait3A_147 : memref<128xi32, #tpu.memory_space<hbm>>) dst(%dma_wait3A_146 : memref<128xi32, #tpu.memory_space<vmem>>)
    %dma_start3A_148 = arith.constant 4 : i32
    %dma_start3A_149 = arith.constant 512 : i32
    %dma_start3A_150 = arith.constant 0 : i32
    %dma_start3A_151 = tpu.memref_slice %arg9[%dma_start3A_149, %dma_start3A_150] : memref<768x128xf32, #tpu.memory_space<vmem>> -> memref<128x128xf32, #tpu.memory_space<vmem>>
    %dma_start3A_152 = arith.constant 0 : i32
    %dma_start3A_153 = tpu.memref_slice %arg8[%dma_start3A_148, %dma_start3A_152] : memref<6x128xi32, #tpu.memory_space<vmem>> -> memref<1x128xi32, #tpu.memory_space<vmem>>
    %dma_start3A_154 = tpu.memref_squeeze %dma_start3A_153 : memref<1x128xi32, #tpu.memory_space<vmem>> -> memref<128xi32, #tpu.memory_space<vmem>>
    %dma_start3A_155 = arith.constant 0 : i32
    %dma_start3A_156 = arith.constant 0 : i32
    %dma_start3A_157 = tpu.memref_slice %arg4[%dma_start3A_155, %dma_start3A_156] : memref<100000x128xf32, #tpu.memory_space<hbm>> -> memref<100000x128xf32, #tpu.memory_space<hbm>>
    tpu.enqueue_indirect_dma source(%dma_start3A_157 : memref<100000x128xf32, #tpu.memory_space<hbm>>) target(%dma_start3A_151 : memref<128x128xf32, #tpu.memory_space<vmem>>) offsets(%dma_start3A_154 : memref<128xi32, #tpu.memory_space<vmem>>) semaphore(%arg20 : memref<!tpu.dma_semaphore, #tpu.memory_space<semaphore_mem>>)
    %dma_wait3A_158 = arith.constant 5 : i32
    %dma_wait3A_159 = arith.constant 0 : i32
    %dma_wait3A_160 = tpu.memref_slice %arg8[%dma_wait3A_158, %dma_wait3A_159] : memref<6x128xi32, #tpu.memory_space<vmem>> -> memref<1x128xi32, #tpu.memory_space<vmem>>
    %dma_wait3A_161 = tpu.memref_squeeze %dma_wait3A_160 : memref<1x128xi32, #tpu.memory_space<vmem>> -> memref<128xi32, #tpu.memory_space<vmem>>
    %dma_wait3A_162 = tpu.memref_slice %arg6[%add3A_54] : memref<16384xi32, #tpu.memory_space<hbm>> -> memref<128xi32, #tpu.memory_space<hbm>>
    %dma_wait3A_163 = arith.constant 0 : i32
    %dma_wait3A_164 = tpu.memref_slice %arg8[%dma_wait3A_158, %dma_wait3A_163] : memref<6x128xi32, #tpu.memory_space<vmem>> -> memref<1x128xi32, #tpu.memory_space<vmem>>
    %dma_wait3A_165 = tpu.memref_squeeze %dma_wait3A_164 : memref<1x128xi32, #tpu.memory_space<vmem>> -> memref<128xi32, #tpu.memory_space<vmem>>
    %dma_wait3A_166 = tpu.memref_slice %arg6[%add3A_54] : memref<16384xi32, #tpu.memory_space<hbm>> -> memref<128xi32, #tpu.memory_space<hbm>>
    tpu.wait_dma2 semaphore(%arg15 : memref<!tpu.dma_semaphore, #tpu.memory_space<semaphore_mem>>) src(%dma_wait3A_166 : memref<128xi32, #tpu.memory_space<hbm>>) dst(%dma_wait3A_165 : memref<128xi32, #tpu.memory_space<vmem>>)
    %dma_start3A_167 = arith.constant 5 : i32
    %dma_start3A_168 = arith.constant 640 : i32
    %dma_start3A_169 = arith.constant 0 : i32
    %dma_start3A_170 = tpu.memref_slice %arg9[%dma_start3A_168, %dma_start3A_169] : memref<768x128xf32, #tpu.memory_space<vmem>> -> memref<128x128xf32, #tpu.memory_space<vmem>>
    %dma_start3A_171 = arith.constant 0 : i32
    %dma_start3A_172 = tpu.memref_slice %arg8[%dma_start3A_167, %dma_start3A_171] : memref<6x128xi32, #tpu.memory_space<vmem>> -> memref<1x128xi32, #tpu.memory_space<vmem>>
    %dma_start3A_173 = tpu.memref_squeeze %dma_start3A_172 : memref<1x128xi32, #tpu.memory_space<vmem>> -> memref<128xi32, #tpu.memory_space<vmem>>
    %dma_start3A_174 = arith.constant 0 : i32
    %dma_start3A_175 = arith.constant 0 : i32
    %dma_start3A_176 = tpu.memref_slice %arg4[%dma_start3A_174, %dma_start3A_175] : memref<100000x128xf32, #tpu.memory_space<hbm>> -> memref<100000x128xf32, #tpu.memory_space<hbm>>
    tpu.enqueue_indirect_dma source(%dma_start3A_176 : memref<100000x128xf32, #tpu.memory_space<hbm>>) target(%dma_start3A_170 : memref<128x128xf32, #tpu.memory_space<vmem>>) offsets(%dma_start3A_173 : memref<128xi32, #tpu.memory_space<vmem>>) semaphore(%arg21 : memref<!tpu.dma_semaphore, #tpu.memory_space<semaphore_mem>>)
    %dma_wait3A_177 = arith.constant 0 : i32
    %dma_wait3A_178 = arith.constant 0 : i32
    %dma_wait3A_179 = arith.constant 0 : i32
    %dma_wait3A_180 = tpu.memref_slice %arg9[%dma_wait3A_178, %dma_wait3A_179] : memref<768x128xf32, #tpu.memory_space<vmem>> -> memref<128x128xf32, #tpu.memory_space<vmem>>
    %dma_wait3A_181 = arith.constant 0 : i32
    %dma_wait3A_182 = tpu.memref_slice %arg8[%dma_wait3A_177, %dma_wait3A_181] : memref<6x128xi32, #tpu.memory_space<vmem>> -> memref<1x128xi32, #tpu.memory_space<vmem>>
    %dma_wait3A_183 = tpu.memref_squeeze %dma_wait3A_182 : memref<1x128xi32, #tpu.memory_space<vmem>> -> memref<128xi32, #tpu.memory_space<vmem>>
    %dma_wait3A_184 = arith.constant 0 : i32
    %dma_wait3A_185 = arith.constant 0 : i32
    %dma_wait3A_186 = tpu.memref_slice %arg2[%dma_wait3A_184, %dma_wait3A_185] : memref<100000x128xf32, #tpu.memory_space<hbm>> -> memref<100000x128xf32, #tpu.memory_space<hbm>>
    tpu.wait_indirect_dma semaphore(%arg16 : memref<!tpu.dma_semaphore, #tpu.memory_space<semaphore_mem>>) src(%dma_wait3A_186 : memref<100000x128xf32, #tpu.memory_space<hbm>>) dst(%dma_wait3A_180 : memref<128x128xf32, #tpu.memory_space<vmem>>)
    %dma_start3A_187 = arith.constant 0 : i32
    %dma_start3A_188 = arith.constant 0 : i32
    %dma_start3A_189 = arith.constant 0 : i32
    %dma_start3A_190 = tpu.memref_slice %arg9[%dma_start3A_188, %dma_start3A_189] : memref<768x128xf32, #tpu.memory_space<vmem>> -> memref<128x128xf32, #tpu.memory_space<vmem>>
    %dma_start3A_191 = arith.constant 0 : i32
    %dma_start3A_192 = tpu.memref_slice %arg7[%dma_start3A_187, %mul3A_2, %dma_start3A_191] : memref<6x4096x128xf32, #tpu.memory_space<hbm>> -> memref<1x128x128xf32, #tpu.memory_space<hbm>>
    %dma_start3A_193 = tpu.memref_squeeze %dma_start3A_192 : memref<1x128x128xf32, #tpu.memory_space<hbm>> -> memref<128x128xf32, #tpu.memory_space<hbm>>
    %dma_start3A_194 = arith.constant 0 : i32
    %dma_start3A_195 = tpu.memref_slice %arg7[%dma_start3A_187, %mul3A_2, %dma_start3A_194] : memref<6x4096x128xf32, #tpu.memory_space<hbm>> -> memref<1x128x128xf32, #tpu.memory_space<hbm>>
    %dma_start3A_196 = tpu.memref_squeeze %dma_start3A_195 : memref<1x128x128xf32, #tpu.memory_space<hbm>> -> memref<128x128xf32, #tpu.memory_space<hbm>>
    %dma_start3A_197 = arith.constant 0 : i32
    %dma_start3A_198 = arith.constant 0 : i32
    %dma_start3A_199 = tpu.memref_slice %arg9[%dma_start3A_197, %dma_start3A_198] : memref<768x128xf32, #tpu.memory_space<vmem>> -> memref<128x128xf32, #tpu.memory_space<vmem>>
    tpu.enqueue_dma source(%dma_start3A_199 : memref<128x128xf32, #tpu.memory_space<vmem>>) target(%dma_start3A_196 : memref<128x128xf32, #tpu.memory_space<hbm>>) target_semaphore(%arg22 : memref<!tpu.dma_semaphore, #tpu.memory_space<semaphore_mem>>)
    %dma_wait3A_200 = arith.constant 1 : i32
    %dma_wait3A_201 = arith.constant 128 : i32
    %dma_wait3A_202 = arith.constant 0 : i32
    %dma_wait3A_203 = tpu.memref_slice %arg9[%dma_wait3A_201, %dma_wait3A_202] : memref<768x128xf32, #tpu.memory_space<vmem>> -> memref<128x128xf32, #tpu.memory_space<vmem>>
    %dma_wait3A_204 = arith.constant 0 : i32
    %dma_wait3A_205 = tpu.memref_slice %arg8[%dma_wait3A_200, %dma_wait3A_204] : memref<6x128xi32, #tpu.memory_space<vmem>> -> memref<1x128xi32, #tpu.memory_space<vmem>>
    %dma_wait3A_206 = tpu.memref_squeeze %dma_wait3A_205 : memref<1x128xi32, #tpu.memory_space<vmem>> -> memref<128xi32, #tpu.memory_space<vmem>>
    %dma_wait3A_207 = arith.constant 0 : i32
    %dma_wait3A_208 = arith.constant 0 : i32
    %dma_wait3A_209 = tpu.memref_slice %arg4[%dma_wait3A_207, %dma_wait3A_208] : memref<100000x128xf32, #tpu.memory_space<hbm>> -> memref<100000x128xf32, #tpu.memory_space<hbm>>
    tpu.wait_indirect_dma semaphore(%arg17 : memref<!tpu.dma_semaphore, #tpu.memory_space<semaphore_mem>>) src(%dma_wait3A_209 : memref<100000x128xf32, #tpu.memory_space<hbm>>) dst(%dma_wait3A_203 : memref<128x128xf32, #tpu.memory_space<vmem>>)
    %dma_start3A_210 = arith.constant 1 : i32
    %dma_start3A_211 = arith.constant 128 : i32
    %dma_start3A_212 = arith.constant 0 : i32
    %dma_start3A_213 = tpu.memref_slice %arg9[%dma_start3A_211, %dma_start3A_212] : memref<768x128xf32, #tpu.memory_space<vmem>> -> memref<128x128xf32, #tpu.memory_space<vmem>>
    %dma_start3A_214 = arith.constant 0 : i32
    %dma_start3A_215 = tpu.memref_slice %arg7[%dma_start3A_210, %mul3A_2, %dma_start3A_214] : memref<6x4096x128xf32, #tpu.memory_space<hbm>> -> memref<1x128x128xf32, #tpu.memory_space<hbm>>
    %dma_start3A_216 = tpu.memref_squeeze %dma_start3A_215 : memref<1x128x128xf32, #tpu.memory_space<hbm>> -> memref<128x128xf32, #tpu.memory_space<hbm>>
    %dma_start3A_217 = arith.constant 0 : i32
    %dma_start3A_218 = tpu.memref_slice %arg7[%dma_start3A_210, %mul3A_2, %dma_start3A_217] : memref<6x4096x128xf32, #tpu.memory_space<hbm>> -> memref<1x128x128xf32, #tpu.memory_space<hbm>>
    %dma_start3A_219 = tpu.memref_squeeze %dma_start3A_218 : memref<1x128x128xf32, #tpu.memory_space<hbm>> -> memref<128x128xf32, #tpu.memory_space<hbm>>
    %dma_start3A_220 = arith.constant 128 : i32
    %dma_start3A_221 = arith.constant 0 : i32
    %dma_start3A_222 = tpu.memref_slice %arg9[%dma_start3A_220, %dma_start3A_221] : memref<768x128xf32, #tpu.memory_space<vmem>> -> memref<128x128xf32, #tpu.memory_space<vmem>>
    tpu.enqueue_dma source(%dma_start3A_222 : memref<128x128xf32, #tpu.memory_space<vmem>>) target(%dma_start3A_219 : memref<128x128xf32, #tpu.memory_space<hbm>>) target_semaphore(%arg22 : memref<!tpu.dma_semaphore, #tpu.memory_space<semaphore_mem>>)
    %dma_wait3A_223 = arith.constant 2 : i32
    %dma_wait3A_224 = arith.constant 256 : i32
    %dma_wait3A_225 = arith.constant 0 : i32
    %dma_wait3A_226 = tpu.memref_slice %arg9[%dma_wait3A_224, %dma_wait3A_225] : memref<768x128xf32, #tpu.memory_space<vmem>> -> memref<128x128xf32, #tpu.memory_space<vmem>>
    %dma_wait3A_227 = arith.constant 0 : i32
    %dma_wait3A_228 = tpu.memref_slice %arg8[%dma_wait3A_223, %dma_wait3A_227] : memref<6x128xi32, #tpu.memory_space<vmem>> -> memref<1x128xi32, #tpu.memory_space<vmem>>
    %dma_wait3A_229 = tpu.memref_squeeze %dma_wait3A_228 : memref<1x128xi32, #tpu.memory_space<vmem>> -> memref<128xi32, #tpu.memory_space<vmem>>
    %dma_wait3A_230 = arith.constant 0 : i32
    %dma_wait3A_231 = arith.constant 0 : i32
    %dma_wait3A_232 = tpu.memref_slice %arg4[%dma_wait3A_230, %dma_wait3A_231] : memref<100000x128xf32, #tpu.memory_space<hbm>> -> memref<100000x128xf32, #tpu.memory_space<hbm>>
    tpu.wait_indirect_dma semaphore(%arg18 : memref<!tpu.dma_semaphore, #tpu.memory_space<semaphore_mem>>) src(%dma_wait3A_232 : memref<100000x128xf32, #tpu.memory_space<hbm>>) dst(%dma_wait3A_226 : memref<128x128xf32, #tpu.memory_space<vmem>>)
    %dma_start3A_233 = arith.constant 2 : i32
    %dma_start3A_234 = arith.constant 256 : i32
    %dma_start3A_235 = arith.constant 0 : i32
    %dma_start3A_236 = tpu.memref_slice %arg9[%dma_start3A_234, %dma_start3A_235] : memref<768x128xf32, #tpu.memory_space<vmem>> -> memref<128x128xf32, #tpu.memory_space<vmem>>
    %dma_start3A_237 = arith.constant 0 : i32
    %dma_start3A_238 = tpu.memref_slice %arg7[%dma_start3A_233, %mul3A_2, %dma_start3A_237] : memref<6x4096x128xf32, #tpu.memory_space<hbm>> -> memref<1x128x128xf32, #tpu.memory_space<hbm>>
    %dma_start3A_239 = tpu.memref_squeeze %dma_start3A_238 : memref<1x128x128xf32, #tpu.memory_space<hbm>> -> memref<128x128xf32, #tpu.memory_space<hbm>>
    %dma_start3A_240 = arith.constant 0 : i32
    %dma_start3A_241 = tpu.memref_slice %arg7[%dma_start3A_233, %mul3A_2, %dma_start3A_240] : memref<6x4096x128xf32, #tpu.memory_space<hbm>> -> memref<1x128x128xf32, #tpu.memory_space<hbm>>
    %dma_start3A_242 = tpu.memref_squeeze %dma_start3A_241 : memref<1x128x128xf32, #tpu.memory_space<hbm>> -> memref<128x128xf32, #tpu.memory_space<hbm>>
    %dma_start3A_243 = arith.constant 256 : i32
    %dma_start3A_244 = arith.constant 0 : i32
    %dma_start3A_245 = tpu.memref_slice %arg9[%dma_start3A_243, %dma_start3A_244] : memref<768x128xf32, #tpu.memory_space<vmem>> -> memref<128x128xf32, #tpu.memory_space<vmem>>
    tpu.enqueue_dma source(%dma_start3A_245 : memref<128x128xf32, #tpu.memory_space<vmem>>) target(%dma_start3A_242 : memref<128x128xf32, #tpu.memory_space<hbm>>) target_semaphore(%arg22 : memref<!tpu.dma_semaphore, #tpu.memory_space<semaphore_mem>>)
    %dma_wait3A_246 = arith.constant 3 : i32
    %dma_wait3A_247 = arith.constant 384 : i32
    %dma_wait3A_248 = arith.constant 0 : i32
    %dma_wait3A_249 = tpu.memref_slice %arg9[%dma_wait3A_247, %dma_wait3A_248] : memref<768x128xf32, #tpu.memory_space<vmem>> -> memref<128x128xf32, #tpu.memory_space<vmem>>
    %dma_wait3A_250 = arith.constant 0 : i32
    %dma_wait3A_251 = tpu.memref_slice %arg8[%dma_wait3A_246, %dma_wait3A_250] : memref<6x128xi32, #tpu.memory_space<vmem>> -> memref<1x128xi32, #tpu.memory_space<vmem>>
    %dma_wait3A_252 = tpu.memref_squeeze %dma_wait3A_251 : memref<1x128xi32, #tpu.memory_space<vmem>> -> memref<128xi32, #tpu.memory_space<vmem>>
    %dma_wait3A_253 = arith.constant 0 : i32
    %dma_wait3A_254 = arith.constant 0 : i32
    %dma_wait3A_255 = tpu.memref_slice %arg4[%dma_wait3A_253, %dma_wait3A_254] : memref<100000x128xf32, #tpu.memory_space<hbm>> -> memref<100000x128xf32, #tpu.memory_space<hbm>>
    tpu.wait_indirect_dma semaphore(%arg19 : memref<!tpu.dma_semaphore, #tpu.memory_space<semaphore_mem>>) src(%dma_wait3A_255 : memref<100000x128xf32, #tpu.memory_space<hbm>>) dst(%dma_wait3A_249 : memref<128x128xf32, #tpu.memory_space<vmem>>)
    %dma_start3A_256 = arith.constant 3 : i32
    %dma_start3A_257 = arith.constant 384 : i32
    %dma_start3A_258 = arith.constant 0 : i32
    %dma_start3A_259 = tpu.memref_slice %arg9[%dma_start3A_257, %dma_start3A_258] : memref<768x128xf32, #tpu.memory_space<vmem>> -> memref<128x128xf32, #tpu.memory_space<vmem>>
    %dma_start3A_260 = arith.constant 0 : i32
    %dma_start3A_261 = tpu.memref_slice %arg7[%dma_start3A_256, %mul3A_2, %dma_start3A_260] : memref<6x4096x128xf32, #tpu.memory_space<hbm>> -> memref<1x128x128xf32, #tpu.memory_space<hbm>>
    %dma_start3A_262 = tpu.memref_squeeze %dma_start3A_261 : memref<1x128x128xf32, #tpu.memory_space<hbm>> -> memref<128x128xf32, #tpu.memory_space<hbm>>
    %dma_start3A_263 = arith.constant 0 : i32
    %dma_start3A_264 = tpu.memref_slice %arg7[%dma_start3A_256, %mul3A_2, %dma_start3A_263] : memref<6x4096x128xf32, #tpu.memory_space<hbm>> -> memref<1x128x128xf32, #tpu.memory_space<hbm>>
    %dma_start3A_265 = tpu.memref_squeeze %dma_start3A_264 : memref<1x128x128xf32, #tpu.memory_space<hbm>> -> memref<128x128xf32, #tpu.memory_space<hbm>>
    %dma_start3A_266 = arith.constant 384 : i32
    %dma_start3A_267 = arith.constant 0 : i32
    %dma_start3A_268 = tpu.memref_slice %arg9[%dma_start3A_266, %dma_start3A_267] : memref<768x128xf32, #tpu.memory_space<vmem>> -> memref<128x128xf32, #tpu.memory_space<vmem>>
    tpu.enqueue_dma source(%dma_start3A_268 : memref<128x128xf32, #tpu.memory_space<vmem>>) target(%dma_start3A_265 : memref<128x128xf32, #tpu.memory_space<hbm>>) target_semaphore(%arg22 : memref<!tpu.dma_semaphore, #tpu.memory_space<semaphore_mem>>)
    %dma_wait3A_269 = arith.constant 4 : i32
    %dma_wait3A_270 = arith.constant 512 : i32
    %dma_wait3A_271 = arith.constant 0 : i32
    %dma_wait3A_272 = tpu.memref_slice %arg9[%dma_wait3A_270, %dma_wait3A_271] : memref<768x128xf32, #tpu.memory_space<vmem>> -> memref<128x128xf32, #tpu.memory_space<vmem>>
    %dma_wait3A_273 = arith.constant 0 : i32
    %dma_wait3A_274 = tpu.memref_slice %arg8[%dma_wait3A_269, %dma_wait3A_273] : memref<6x128xi32, #tpu.memory_space<vmem>> -> memref<1x128xi32, #tpu.memory_space<vmem>>
    %dma_wait3A_275 = tpu.memref_squeeze %dma_wait3A_274 : memref<1x128xi32, #tpu.memory_space<vmem>> -> memref<128xi32, #tpu.memory_space<vmem>>
    %dma_wait3A_276 = arith.constant 0 : i32
    %dma_wait3A_277 = arith.constant 0 : i32
    %dma_wait3A_278 = tpu.memref_slice %arg4[%dma_wait3A_276, %dma_wait3A_277] : memref<100000x128xf32, #tpu.memory_space<hbm>> -> memref<100000x128xf32, #tpu.memory_space<hbm>>
    tpu.wait_indirect_dma semaphore(%arg20 : memref<!tpu.dma_semaphore, #tpu.memory_space<semaphore_mem>>) src(%dma_wait3A_278 : memref<100000x128xf32, #tpu.memory_space<hbm>>) dst(%dma_wait3A_272 : memref<128x128xf32, #tpu.memory_space<vmem>>)
    %dma_start3A_279 = arith.constant 4 : i32
    %dma_start3A_280 = arith.constant 512 : i32
    %dma_start3A_281 = arith.constant 0 : i32
    %dma_start3A_282 = tpu.memref_slice %arg9[%dma_start3A_280, %dma_start3A_281] : memref<768x128xf32, #tpu.memory_space<vmem>> -> memref<128x128xf32, #tpu.memory_space<vmem>>
    %dma_start3A_283 = arith.constant 0 : i32
    %dma_start3A_284 = tpu.memref_slice %arg7[%dma_start3A_279, %mul3A_2, %dma_start3A_283] : memref<6x4096x128xf32, #tpu.memory_space<hbm>> -> memref<1x128x128xf32, #tpu.memory_space<hbm>>
    %dma_start3A_285 = tpu.memref_squeeze %dma_start3A_284 : memref<1x128x128xf32, #tpu.memory_space<hbm>> -> memref<128x128xf32, #tpu.memory_space<hbm>>
    %dma_start3A_286 = arith.constant 0 : i32
    %dma_start3A_287 = tpu.memref_slice %arg7[%dma_start3A_279, %mul3A_2, %dma_start3A_286] : memref<6x4096x128xf32, #tpu.memory_space<hbm>> -> memref<1x128x128xf32, #tpu.memory_space<hbm>>
    %dma_start3A_288 = tpu.memref_squeeze %dma_start3A_287 : memref<1x128x128xf32, #tpu.memory_space<hbm>> -> memref<128x128xf32, #tpu.memory_space<hbm>>
    %dma_start3A_289 = arith.constant 512 : i32
    %dma_start3A_290 = arith.constant 0 : i32
    %dma_start3A_291 = tpu.memref_slice %arg9[%dma_start3A_289, %dma_start3A_290] : memref<768x128xf32, #tpu.memory_space<vmem>> -> memref<128x128xf32, #tpu.memory_space<vmem>>
    tpu.enqueue_dma source(%dma_start3A_291 : memref<128x128xf32, #tpu.memory_space<vmem>>) target(%dma_start3A_288 : memref<128x128xf32, #tpu.memory_space<hbm>>) target_semaphore(%arg22 : memref<!tpu.dma_semaphore, #tpu.memory_space<semaphore_mem>>)
    %dma_wait3A_292 = arith.constant 5 : i32
    %dma_wait3A_293 = arith.constant 640 : i32
    %dma_wait3A_294 = arith.constant 0 : i32
    %dma_wait3A_295 = tpu.memref_slice %arg9[%dma_wait3A_293, %dma_wait3A_294] : memref<768x128xf32, #tpu.memory_space<vmem>> -> memref<128x128xf32, #tpu.memory_space<vmem>>
    %dma_wait3A_296 = arith.constant 0 : i32
    %dma_wait3A_297 = tpu.memref_slice %arg8[%dma_wait3A_292, %dma_wait3A_296] : memref<6x128xi32, #tpu.memory_space<vmem>> -> memref<1x128xi32, #tpu.memory_space<vmem>>
    %dma_wait3A_298 = tpu.memref_squeeze %dma_wait3A_297 : memref<1x128xi32, #tpu.memory_space<vmem>> -> memref<128xi32, #tpu.memory_space<vmem>>
    %dma_wait3A_299 = arith.constant 0 : i32
    %dma_wait3A_300 = arith.constant 0 : i32
    %dma_wait3A_301 = tpu.memref_slice %arg4[%dma_wait3A_299, %dma_wait3A_300] : memref<100000x128xf32, #tpu.memory_space<hbm>> -> memref<100000x128xf32, #tpu.memory_space<hbm>>
    tpu.wait_indirect_dma semaphore(%arg21 : memref<!tpu.dma_semaphore, #tpu.memory_space<semaphore_mem>>) src(%dma_wait3A_301 : memref<100000x128xf32, #tpu.memory_space<hbm>>) dst(%dma_wait3A_295 : memref<128x128xf32, #tpu.memory_space<vmem>>)
    %dma_start3A_302 = arith.constant 5 : i32
    %dma_start3A_303 = arith.constant 640 : i32
    %dma_start3A_304 = arith.constant 0 : i32
    %dma_start3A_305 = tpu.memref_slice %arg9[%dma_start3A_303, %dma_start3A_304] : memref<768x128xf32, #tpu.memory_space<vmem>> -> memref<128x128xf32, #tpu.memory_space<vmem>>
    %dma_start3A_306 = arith.constant 0 : i32
    %dma_start3A_307 = tpu.memref_slice %arg7[%dma_start3A_302, %mul3A_2, %dma_start3A_306] : memref<6x4096x128xf32, #tpu.memory_space<hbm>> -> memref<1x128x128xf32, #tpu.memory_space<hbm>>
    %dma_start3A_308 = tpu.memref_squeeze %dma_start3A_307 : memref<1x128x128xf32, #tpu.memory_space<hbm>> -> memref<128x128xf32, #tpu.memory_space<hbm>>
    %dma_start3A_309 = arith.constant 0 : i32
    %dma_start3A_310 = tpu.memref_slice %arg7[%dma_start3A_302, %mul3A_2, %dma_start3A_309] : memref<6x4096x128xf32, #tpu.memory_space<hbm>> -> memref<1x128x128xf32, #tpu.memory_space<hbm>>
    %dma_start3A_311 = tpu.memref_squeeze %dma_start3A_310 : memref<1x128x128xf32, #tpu.memory_space<hbm>> -> memref<128x128xf32, #tpu.memory_space<hbm>>
    %dma_start3A_312 = arith.constant 640 : i32
    %dma_start3A_313 = arith.constant 0 : i32
    %dma_start3A_314 = tpu.memref_slice %arg9[%dma_start3A_312, %dma_start3A_313] : memref<768x128xf32, #tpu.memory_space<vmem>> -> memref<128x128xf32, #tpu.memory_space<vmem>>
    tpu.enqueue_dma source(%dma_start3A_314 : memref<128x128xf32, #tpu.memory_space<vmem>>) target(%dma_start3A_311 : memref<128x128xf32, #tpu.memory_space<hbm>>) target_semaphore(%arg22 : memref<!tpu.dma_semaphore, #tpu.memory_space<semaphore_mem>>)
    %dma_wait3A_315 = arith.constant 0 : i32
    %dma_wait3A_316 = arith.constant 0 : i32
    %dma_wait3A_317 = arith.constant 0 : i32
    %dma_wait3A_318 = tpu.memref_slice %arg9[%dma_wait3A_316, %dma_wait3A_317] : memref<768x128xf32, #tpu.memory_space<vmem>> -> memref<128x128xf32, #tpu.memory_space<vmem>>
    %dma_wait3A_319 = arith.constant 0 : i32
    %dma_wait3A_320 = tpu.memref_slice %arg7[%dma_wait3A_315, %mul3A_2, %dma_wait3A_319] : memref<6x4096x128xf32, #tpu.memory_space<hbm>> -> memref<1x128x128xf32, #tpu.memory_space<hbm>>
    %dma_wait3A_321 = tpu.memref_squeeze %dma_wait3A_320 : memref<1x128x128xf32, #tpu.memory_space<hbm>> -> memref<128x128xf32, #tpu.memory_space<hbm>>
    %dma_wait3A_322 = arith.constant 0 : i32
    %dma_wait3A_323 = tpu.memref_slice %arg7[%dma_wait3A_315, %mul3A_2, %dma_wait3A_322] : memref<6x4096x128xf32, #tpu.memory_space<hbm>> -> memref<1x128x128xf32, #tpu.memory_space<hbm>>
    %dma_wait3A_324 = tpu.memref_squeeze %dma_wait3A_323 : memref<1x128x128xf32, #tpu.memory_space<hbm>> -> memref<128x128xf32, #tpu.memory_space<hbm>>
    %dma_wait3A_325 = arith.constant 0 : i32
    %dma_wait3A_326 = arith.constant 0 : i32
    %dma_wait3A_327 = tpu.memref_slice %arg9[%dma_wait3A_325, %dma_wait3A_326] : memref<768x128xf32, #tpu.memory_space<vmem>> -> memref<128x128xf32, #tpu.memory_space<vmem>>
    tpu.wait_dma2 semaphore(%arg22 : memref<!tpu.dma_semaphore, #tpu.memory_space<semaphore_mem>>) src(%dma_wait3A_327 : memref<128x128xf32, #tpu.memory_space<vmem>>) dst(%dma_wait3A_324 : memref<128x128xf32, #tpu.memory_space<hbm>>)
    %dma_wait3A_328 = arith.constant 1 : i32
    %dma_wait3A_329 = arith.constant 128 : i32
    %dma_wait3A_330 = arith.constant 0 : i32
    %dma_wait3A_331 = tpu.memref_slice %arg9[%dma_wait3A_329, %dma_wait3A_330] : memref<768x128xf32, #tpu.memory_space<vmem>> -> memref<128x128xf32, #tpu.memory_space<vmem>>
    %dma_wait3A_332 = arith.constant 0 : i32
    %dma_wait3A_333 = tpu.memref_slice %arg7[%dma_wait3A_328, %mul3A_2, %dma_wait3A_332] : memref<6x4096x128xf32, #tpu.memory_space<hbm>> -> memref<1x128x128xf32, #tpu.memory_space<hbm>>
    %dma_wait3A_334 = tpu.memref_squeeze %dma_wait3A_333 : memref<1x128x128xf32, #tpu.memory_space<hbm>> -> memref<128x128xf32, #tpu.memory_space<hbm>>
    %dma_wait3A_335 = arith.constant 0 : i32
    %dma_wait3A_336 = tpu.memref_slice %arg7[%dma_wait3A_328, %mul3A_2, %dma_wait3A_335] : memref<6x4096x128xf32, #tpu.memory_space<hbm>> -> memref<1x128x128xf32, #tpu.memory_space<hbm>>
    %dma_wait3A_337 = tpu.memref_squeeze %dma_wait3A_336 : memref<1x128x128xf32, #tpu.memory_space<hbm>> -> memref<128x128xf32, #tpu.memory_space<hbm>>
    %dma_wait3A_338 = arith.constant 128 : i32
    %dma_wait3A_339 = arith.constant 0 : i32
    %dma_wait3A_340 = tpu.memref_slice %arg9[%dma_wait3A_338, %dma_wait3A_339] : memref<768x128xf32, #tpu.memory_space<vmem>> -> memref<128x128xf32, #tpu.memory_space<vmem>>
    tpu.wait_dma2 semaphore(%arg22 : memref<!tpu.dma_semaphore, #tpu.memory_space<semaphore_mem>>) src(%dma_wait3A_340 : memref<128x128xf32, #tpu.memory_space<vmem>>) dst(%dma_wait3A_337 : memref<128x128xf32, #tpu.memory_space<hbm>>)
    %dma_wait3A_341 = arith.constant 2 : i32
    %dma_wait3A_342 = arith.constant 256 : i32
    %dma_wait3A_343 = arith.constant 0 : i32
    %dma_wait3A_344 = tpu.memref_slice %arg9[%dma_wait3A_342, %dma_wait3A_343] : memref<768x128xf32, #tpu.memory_space<vmem>> -> memref<128x128xf32, #tpu.memory_space<vmem>>
    %dma_wait3A_345 = arith.constant 0 : i32
    %dma_wait3A_346 = tpu.memref_slice %arg7[%dma_wait3A_341, %mul3A_2, %dma_wait3A_345] : memref<6x4096x128xf32, #tpu.memory_space<hbm>> -> memref<1x128x128xf32, #tpu.memory_space<hbm>>
    %dma_wait3A_347 = tpu.memref_squeeze %dma_wait3A_346 : memref<1x128x128xf32, #tpu.memory_space<hbm>> -> memref<128x128xf32, #tpu.memory_space<hbm>>
    %dma_wait3A_348 = arith.constant 0 : i32
    %dma_wait3A_349 = tpu.memref_slice %arg7[%dma_wait3A_341, %mul3A_2, %dma_wait3A_348] : memref<6x4096x128xf32, #tpu.memory_space<hbm>> -> memref<1x128x128xf32, #tpu.memory_space<hbm>>
    %dma_wait3A_350 = tpu.memref_squeeze %dma_wait3A_349 : memref<1x128x128xf32, #tpu.memory_space<hbm>> -> memref<128x128xf32, #tpu.memory_space<hbm>>
    %dma_wait3A_351 = arith.constant 256 : i32
    %dma_wait3A_352 = arith.constant 0 : i32
    %dma_wait3A_353 = tpu.memref_slice %arg9[%dma_wait3A_351, %dma_wait3A_352] : memref<768x128xf32, #tpu.memory_space<vmem>> -> memref<128x128xf32, #tpu.memory_space<vmem>>
    tpu.wait_dma2 semaphore(%arg22 : memref<!tpu.dma_semaphore, #tpu.memory_space<semaphore_mem>>) src(%dma_wait3A_353 : memref<128x128xf32, #tpu.memory_space<vmem>>) dst(%dma_wait3A_350 : memref<128x128xf32, #tpu.memory_space<hbm>>)
    %dma_wait3A_354 = arith.constant 3 : i32
    %dma_wait3A_355 = arith.constant 384 : i32
    %dma_wait3A_356 = arith.constant 0 : i32
    %dma_wait3A_357 = tpu.memref_slice %arg9[%dma_wait3A_355, %dma_wait3A_356] : memref<768x128xf32, #tpu.memory_space<vmem>> -> memref<128x128xf32, #tpu.memory_space<vmem>>
    %dma_wait3A_358 = arith.constant 0 : i32
    %dma_wait3A_359 = tpu.memref_slice %arg7[%dma_wait3A_354, %mul3A_2, %dma_wait3A_358] : memref<6x4096x128xf32, #tpu.memory_space<hbm>> -> memref<1x128x128xf32, #tpu.memory_space<hbm>>
    %dma_wait3A_360 = tpu.memref_squeeze %dma_wait3A_359 : memref<1x128x128xf32, #tpu.memory_space<hbm>> -> memref<128x128xf32, #tpu.memory_space<hbm>>
    %dma_wait3A_361 = arith.constant 0 : i32
    %dma_wait3A_362 = tpu.memref_slice %arg7[%dma_wait3A_354, %mul3A_2, %dma_wait3A_361] : memref<6x4096x128xf32, #tpu.memory_space<hbm>> -> memref<1x128x128xf32, #tpu.memory_space<hbm>>
    %dma_wait3A_363 = tpu.memref_squeeze %dma_wait3A_362 : memref<1x128x128xf32, #tpu.memory_space<hbm>> -> memref<128x128xf32, #tpu.memory_space<hbm>>
    %dma_wait3A_364 = arith.constant 384 : i32
    %dma_wait3A_365 = arith.constant 0 : i32
    %dma_wait3A_366 = tpu.memref_slice %arg9[%dma_wait3A_364, %dma_wait3A_365] : memref<768x128xf32, #tpu.memory_space<vmem>> -> memref<128x128xf32, #tpu.memory_space<vmem>>
    tpu.wait_dma2 semaphore(%arg22 : memref<!tpu.dma_semaphore, #tpu.memory_space<semaphore_mem>>) src(%dma_wait3A_366 : memref<128x128xf32, #tpu.memory_space<vmem>>) dst(%dma_wait3A_363 : memref<128x128xf32, #tpu.memory_space<hbm>>)
    %dma_wait3A_367 = arith.constant 4 : i32
    %dma_wait3A_368 = arith.constant 512 : i32
    %dma_wait3A_369 = arith.constant 0 : i32
    %dma_wait3A_370 = tpu.memref_slice %arg9[%dma_wait3A_368, %dma_wait3A_369] : memref<768x128xf32, #tpu.memory_space<vmem>> -> memref<128x128xf32, #tpu.memory_space<vmem>>
    %dma_wait3A_371 = arith.constant 0 : i32
    %dma_wait3A_372 = tpu.memref_slice %arg7[%dma_wait3A_367, %mul3A_2, %dma_wait3A_371] : memref<6x4096x128xf32, #tpu.memory_space<hbm>> -> memref<1x128x128xf32, #tpu.memory_space<hbm>>
    %dma_wait3A_373 = tpu.memref_squeeze %dma_wait3A_372 : memref<1x128x128xf32, #tpu.memory_space<hbm>> -> memref<128x128xf32, #tpu.memory_space<hbm>>
    %dma_wait3A_374 = arith.constant 0 : i32
    %dma_wait3A_375 = tpu.memref_slice %arg7[%dma_wait3A_367, %mul3A_2, %dma_wait3A_374] : memref<6x4096x128xf32, #tpu.memory_space<hbm>> -> memref<1x128x128xf32, #tpu.memory_space<hbm>>
    %dma_wait3A_376 = tpu.memref_squeeze %dma_wait3A_375 : memref<1x128x128xf32, #tpu.memory_space<hbm>> -> memref<128x128xf32, #tpu.memory_space<hbm>>
    %dma_wait3A_377 = arith.constant 512 : i32
    %dma_wait3A_378 = arith.constant 0 : i32
    %dma_wait3A_379 = tpu.memref_slice %arg9[%dma_wait3A_377, %dma_wait3A_378] : memref<768x128xf32, #tpu.memory_space<vmem>> -> memref<128x128xf32, #tpu.memory_space<vmem>>
    tpu.wait_dma2 semaphore(%arg22 : memref<!tpu.dma_semaphore, #tpu.memory_space<semaphore_mem>>) src(%dma_wait3A_379 : memref<128x128xf32, #tpu.memory_space<vmem>>) dst(%dma_wait3A_376 : memref<128x128xf32, #tpu.memory_space<hbm>>)
    %dma_wait3A_380 = arith.constant 5 : i32
    %dma_wait3A_381 = arith.constant 640 : i32
    %dma_wait3A_382 = arith.constant 0 : i32
    %dma_wait3A_383 = tpu.memref_slice %arg9[%dma_wait3A_381, %dma_wait3A_382] : memref<768x128xf32, #tpu.memory_space<vmem>> -> memref<128x128xf32, #tpu.memory_space<vmem>>
    %dma_wait3A_384 = arith.constant 0 : i32
    %dma_wait3A_385 = tpu.memref_slice %arg7[%dma_wait3A_380, %mul3A_2, %dma_wait3A_384] : memref<6x4096x128xf32, #tpu.memory_space<hbm>> -> memref<1x128x128xf32, #tpu.memory_space<hbm>>
    %dma_wait3A_386 = tpu.memref_squeeze %dma_wait3A_385 : memref<1x128x128xf32, #tpu.memory_space<hbm>> -> memref<128x128xf32, #tpu.memory_space<hbm>>
    %dma_wait3A_387 = arith.constant 0 : i32
    %dma_wait3A_388 = tpu.memref_slice %arg7[%dma_wait3A_380, %mul3A_2, %dma_wait3A_387] : memref<6x4096x128xf32, #tpu.memory_space<hbm>> -> memref<1x128x128xf32, #tpu.memory_space<hbm>>
    %dma_wait3A_389 = tpu.memref_squeeze %dma_wait3A_388 : memref<1x128x128xf32, #tpu.memory_space<hbm>> -> memref<128x128xf32, #tpu.memory_space<hbm>>
    %dma_wait3A_390 = arith.constant 640 : i32
    %dma_wait3A_391 = arith.constant 0 : i32
    %dma_wait3A_392 = tpu.memref_slice %arg9[%dma_wait3A_390, %dma_wait3A_391] : memref<768x128xf32, #tpu.memory_space<vmem>> -> memref<128x128xf32, #tpu.memory_space<vmem>>
    tpu.wait_dma2 semaphore(%arg22 : memref<!tpu.dma_semaphore, #tpu.memory_space<semaphore_mem>>) src(%dma_wait3A_392 : memref<128x128xf32, #tpu.memory_space<vmem>>) dst(%dma_wait3A_389 : memref<128x128xf32, #tpu.memory_space<hbm>>)
    return
  }
}

</mosaic_0001>

<sc_bundles>
// kernel: _run.3.cloned.1.call-start
scs
__scs_entry_jumppad:
0x0: {  	(pc) =	sbr.rel $0x88, $3  }
0x1: {  	(tag) =	ssettag $0x0;
	lr =	simm.s32 $0x1  }
0x2: {  	[smem:$0x3F9C] =	sst lr;
	_ =	strace $0xD0000000  }
0x3: {  	_ = 	snop  }
0x4: {  	_ = 	snop  }
0x5: {  	_ = 	snop  }
0x6: {  	_ = 	snop  }
0x7: {  	_ = 	snop  }
__scs_overlays_trampoline_lowered:
0x8: {  	[smem:$0x3FAB] =	sst s0  }
0x9: {  	[smem:$0x3FAC] =	sst s1  }
0xa: {  	[smem:$0x3FAD] =	sst s2  }
0xb: {  	[smem:$0x3FAE] =	sst s3  }
0xc: {  	[smem:$0x3FAF] =	sst s4  }
0xd: {  	[smem:$0x3FB0] =	sst s5  }
0xe: {  	[smem:$0x3FB1] =	sst s6  }
0xf: {  	[smem:$0x3FB2] =	sst s7  }
0x10: {  	[smem:$0x3FB3] =	sst s8  }
0x11: {  	[smem:$0x3FB4] =	sst s9;
	s0 =	simm.s32 @!p0 $0x0  }
0x12: {  	s1 =	sld [smem:$0x3F9A];
	s0 =	simm.s32 @p0 $0x1  }
0x13: {  	[smem:$0x3FB5] =	sst s0;
	s0 =	simm.s32 @!p1 $0x0  }
0x14: {  	s2 =	sld [smem:$0x3F99];
	s0 =	simm.s32 @p1 $0x1  }
0x15: {  	[smem:$0x3FB6] =	sst s0;
	s0 =	simm.s32 @!p2 $0x0  }
0x16: {  	s3 =	sld [smem:$0x3FDB];
	s0 =	simm.s32 @p2 $0x1  }
0x17: {  	s4 =	simm.s32 $0x1BF5;
	[smem:$0x3FB8] =	sst s0  }
0x18: {  	s0 =	sld [smem:$0x3F9B];
	_ =	swait.ge [sflag:s4], $0x0  }
0x19: {  	s7 =	sld [smem:$0x3F9C]  }
0x1a: {  	s8 =	sadd.s32 $0xFFFFE003, lr  }
0x1b: {  	s9 =	sadd.s32 $0xFFFFFEF7, lr;
	s5 =	simm.s32 $0xFFFFFFFF;
	p2 =	slt.u32 s8, $0xFFFFF086  }
0x1c: {  	p1 =	slt.u32 s9, $0xF7A;
	s5 =	simm.s32 @!p2 $0x0  }
0x1d: {  	s5 =	simm.s32 @p1 $0x1;
	p0 =	seq.s32 s7, s2  }
0x1e: {  	s7 =	smul.u32 @!p0 $0xF7A, s2;
	p2 =	seq.s32 @!p0 s5, $0x0  }
0x1f: {  	s9 =	smul.u32 $0xF7A, s1;
	s8 =	simm.s32 @!p0 $0x1BF5;
	p2 =	por !p2, p0  }
0x20: {  	[sflag:s8] =	ssyncset.s32 @!p0 $0xFFFFF086;
	s6 =	sadd.s32 @!p0 s3, s7;
	s7 =	simm.s32 @!p0 $0x108  }
0x21: {  	s3 =	sadd.s32 s3, s9;
	s6 =	sadd.s32 @!p0 $0x88, s6;
	s7 =	simm.s32 @p2 $0x1082  }
0x22: {  	[simem:s7], [sflag:s8] =	dma.local @!p0 [hbm:s6], $0xF7A  }
0x23: {  	s9 =	sor.u32 $0xD0000000, s2;
	s6 =	simm.s32 $0x108;
	_ =	swait.ge @!p0 [sflag:s8], $0x0  }
0x24: {  	s3 =	sadd.s32 $0x88, s3;
	s6 =	simm.s32 @!p1 $0x1082;
	[sflag:s4] =	ssyncset.s32 $0xFFFFF086  }
0x25: {  	[simem:s6], [sflag:s4] =	dma.local [hbm:s3], $0xF7A  }
0x26: {  	[smem:$0x3F9C] =	sst s1;
	(tag) =	ssettag s2;
	_ =	strace s9  }
0x27: {  	s1 =	sld [smem:$0x3FAC]  }
0x28: {  	s2 =	sld [smem:$0x3FAD]  }
0x29: {  	s4 =	sld [smem:$0x3FAF]  }
0x2a: {  	p0 =	seq.s32 s5, $0x0;
	s5 =	sld [smem:$0x3FB0]  }
0x2b: {  	s6 =	sld [smem:$0x3FB1]  }
0x2c: {  	s7 =	sld [smem:$0x3FB2]  }
0x2d: {  	s3 =	simm.s32 $0x108;
	s8 =	sld [smem:$0x3FB3]  }
0x2e: {  	s3 =	simm.s32 @!p0 $0x1082;
	s9 =	sld [smem:$0x3FB4]  }
0x2f: {  	lr =	sadd.s32 s0, s3;
	s0 =	sld [smem:$0x3FAB]  }
0x30: {  	s3 =	sld [smem:$0x3FAE]  }
0x31: {  	[smem:$0x3FB7] =	sst s10  }
0x32: {  	s10 =	sld [smem:$0x3FB5];
	_ =	sdelay $0x3  }
0x33: {  	p0 =	seq.s32 s10, $0x1;
	s10 =	sld [smem:$0x3FB7];
	_ =	sdelay $0x3  }
0x34: {  	[smem:$0x3FB7] =	sst s10  }
0x35: {  	s10 =	sld [smem:$0x3FB6];
	_ =	sdelay $0x3  }
0x36: {  	p1 =	seq.s32 s10, $0x1;
	s10 =	sld [smem:$0x3FB7];
	_ =	sdelay $0x3  }
0x37: {  	[smem:$0x3FB7] =	sst s10  }
0x38: {  	s10 =	sld [smem:$0x3FB8]  }
0x39: {  	_ = 	snop;
	(pc) =	sbr.ind lr, $3  }
0x3a: {  	_ = 	snop  }
0x3b: {  	_ = 	snop  }
0x3c: {  	p2 =	seq.s32 s10, $0x1;
	s10 =	sld [smem:$0x3FB7]  }
0x3d: {  	_ =	shalt  }
0x3e: {  	_ =	shalt  }
0x3f: {  	_ =	shalt  }
0x40: {  	_ =	shalt  }
0x41: {  	_ =	shalt  }
0x42: {  	_ =	shalt  }
0x43: {  	_ =	shalt  }
0x44: {  	_ =	shalt  }
0x45: {  	_ =	shalt  }
0x46: {  	_ =	shalt  }
0x47: {  	_ =	shalt  }
0x48: {  	_ =	shalt  }
0x49: {  	_ =	shalt  }
0x4a: {  	_ =	shalt  }
0x4b: {  	_ =	shalt  }
0x4c: {  	_ =	shalt  }
0x4d: {  	_ =	shalt  }
0x4e: {  	_ =	shalt  }
0x4f: {  	_ =	shalt  }
0x50: {  	_ =	shalt  }
0x51: {  	_ =	shalt  }
0x52: {  	_ =	shalt  }
0x53: {  	_ =	shalt  }
0x54: {  	_ =	shalt  }
0x55: {  	_ =	shalt  }
0x56: {  	_ =	shalt  }
0x57: {  	_ =	shalt  }
0x58: {  	_ =	shalt  }
0x59: {  	_ =	shalt  }
0x5a: {  	_ =	shalt  }
0x5b: {  	_ =	shalt  }
0x5c: {  	_ =	shalt  }
0x5d: {  	_ =	shalt  }
0x5e: {  	_ =	shalt  }
0x5f: {  	_ =	shalt  }
0x60: {  	_ =	shalt  }
0x61: {  	_ =	shalt  }
0x62: {  	_ =	shalt  }
0x63: {  	_ =	shalt  }
0x64: {  	_ =	shalt  }
0x65: {  	_ =	shalt  }
0x66: {  	_ =	shalt  }
0x67: {  	_ =	shalt  }
0x68: {  	_ =	shalt  }
0x69: {  	_ =	shalt  }
0x6a: {  	_ =	shalt  }
0x6b: {  	_ =	shalt  }
0x6c: {  	_ =	shalt  }
0x6d: {  	_ =	shalt  }
0x6e: {  	_ =	shalt  }
0x6f: {  	_ =	shalt  }
0x70: {  	_ =	shalt  }
0x71: {  	_ =	shalt  }
0x72: {  	_ =	shalt  }
0x73: {  	_ =	shalt  }
0x74: {  	_ =	shalt  }
0x75: {  	_ =	shalt  }
0x76: {  	_ =	shalt  }
0x77: {  	_ =	shalt  }
0x78: {  	_ =	shalt  }
0x79: {  	_ =	shalt  }
0x7a: {  	_ =	shalt  }
0x7b: {  	_ =	shalt  }
0x7c: {  	_ =	shalt  }
0x7d: {  	_ =	shalt  }
0x7e: {  	_ =	shalt  }
0x7f: {  	_ =	shalt  }
0x80: {  	_ =	shalt  }
0x81: {  	_ =	shalt  }
0x82: {  	_ =	shalt  }
0x83: {  	_ =	shalt  }
0x84: {  	_ =	shalt  }
0x85: {  	_ =	shalt  }
0x86: {  	_ =	shalt  }
0x87: {  	_ =	shalt  }
.Lfunc_end0:
.L_simem_size_0:
called_computation_lowered:
.L_overlay_start_0:
0x88: {  	s2 =	sld [smem:$0x3FD9]  }
0x89: {  	s3 =	sld [smem:$0x3FFE];
	_ =	sdelay $0x1  }
0x8a: {  	s1 =	srdreg.scid  }
0x8b: {  	s0 =	sand.u32 $0x1, s1  }
0x8c: {  	s18 =	sshll.u32 s0, $0xA;
	s2 =	sadd.s32 s3, s2  }
0x8d: {  	s2 =	sadd.s32 s2, s18  }
0x8e: {  	[smem:$0x3FC3] =	sst s2  }
0x8f: {  	_ = 	snop  }
0x90: {  	s2 =	sld [smem:$0x3FC9]  }
0x91: {  	s19 =	sld [smem:$0x3FC8]  }
0x92: {  	s4 =	sld [smem:$0x3FC7]  }
0x93: {  	s5 =	sld [smem:$0x3FC6]  }
0x94: {  	s6 =	sld [smem:$0x3FC5]  }
0x95: {  	s7 =	sld [smem:$0x3FD0];
	(tm) =	ssettm $0x1  }
0x96: {  	s8 =	sld [smem:$0x3FFB];
	_ =	sdelay $0x3  }
0x97: {  	_ =	strace s8  }
0x98: {  	s8 =	sld [smem:$0x3FFC];
	_ =	sdelay $0x3  }
0x99: {  	_ =	strace s8  }
0x9a: {  	s8 =	sld [smem:$0x3FFD];
	_ =	sdelay $0x3  }
0x9b: {  	_ =	strace s8  }
0x9c: {  	_ =	strace $0x8FFFFFFF  }
0x9d: {  	s20 =	sld [smem:$0x3FDB];
	_ =	sdelay $0x1  }
0x9e: {  	s9 =	simm.s32 $_scs_section_size  }
0x9f: {  	s10 =	simm.s32 $_size__tile_overlayer_lowered;
	s11 =	simm.s32 $_tile_overlayer_lowered  }
0xa0: {  	s23 =	simm.s32 $0x1BFF;
	s22 =	sshll.u32 s11, $0x1;
	s8 =	sadd.s32 s9, s20  }
0xa1: {  	s12 =	simm.s32 $0x0;
	s21 =	sshll.u32 s10, $0x1;
	s10 =	sadd.s32 s22, s8  }
0xa2: {  	[timem:s12], [sflag:s23] =	dma.local [hbm:s10], s21  }
0xa3: {  	_ =	swait.ge [sflag:s23], s21  }
0xa4: {  	s9 =	ssub.s32 $0x0, s21;
	[sflag:s23] =	ssyncset.done $0x0  }
0xa5: {  	[sflag:s23] =	ssyncadd.s32 s9;
	_ =	sdelay $0x1  }
0xa6: {  	s24 =	simm.s32 $0x1B8B  }
0xa7: {  	_ =	swait.ge [sflag:s24], $0x1  }
0xa8: {  	[sflag:s24] =	ssyncset.done $0x0  }
0xa9: {  	s25 =	simm.s32 $0x1B8E;
	[sflag:s24] =	ssyncadd.s32 $0xFFFFFFFF  }
0xaa: {  	s26 =	simm.s32 $execute0_lowered;
	[smem:$0x3FD2] =	sst s25  }
0xab: {  	s9 =	sshll.u32 s26, $0x1;
	_ =	strace $0x80000046;
	[dreg:$0x1] =	wrdreg $0xFFFFFFFF  }
0xac: {  	s28 =	simm.s32 $_size_execute0_lowered;
	s8 =	sadd.s32 s8, s9;
	[dreg:$0x0] =	wrdreg $0x0  }
0xad: {  	s9 =	sshll.u32 s28, $0x1;
	[dreg:$0x2] =	wrdreg s8  }
0xae: {  	[dreg:$0x3] =	wrdreg s9  }
0xaf: {  	[dreg:$0x4] =	wrdreg $0xC0  }
0xb0: {  	_ =	task [dreg:s12], $0x5FFFF  }
0xb1: {  	[dreg:$0x1] =	wrdreg $0xFFFFFFFF  }
0xb2: {  	[dreg:$0x0] =	wrdreg $0x60  }
0xb3: {  	[dreg:$0x2] =	wrdreg s2  }
0xb4: {  	[dreg:$0x3] =	wrdreg s19  }
0xb5: {  	[dreg:$0x4] =	wrdreg s4  }
0xb6: {  	[dreg:$0x5] =	wrdreg s5  }
0xb7: {  	[dreg:$0x6] =	wrdreg s6  }
0xb8: {  	[dreg:$0x7] =	wrdreg s7  }
0xb9: {  	[dreg:$0x8] =	wrdreg $0x9  }
0xba: {  	_ =	task.clear_ibuf [dreg:s12], $0x9FFFF;
	_ =	strace $0x90000046  }
0xbb: {  	s29 =	simm.s32 $0x9;
	_ =	strace $0x80000048  }
0xbc: {  	_ =	swait.ge [sflag:s29], $0x1  }
0xbd: {  	[sflag:s29] =	ssyncadd.s32 $0xFFFFFFFF  }
0xbe: {  	_ =	strace $0x90000048  }
0xbf: {  	_ =	sfence  }
0xc0: {  	s30 =	sld [smem:$0x0];
	_ =	sdelay $0x2  }
0xc1: {  	s31 =	sshll.u32 s1, $0xD;
	s1 =	sshrl.u32 s1, $0x2  }
0xc2: {  	s3 =	sand.u32 $0x4000, s31;
	s1 =	sadd.s32 s1, s30  }
0xc3: {  	s0 =	sor.u32 s3, s0;
	s1 =	sshll.u32 s1, $0x11  }
0xc4: {  	s0 =	sor.u32 s1, s0  }
0xc5: {  	s0 =	sadd.s32 $0x8F2B, s0  }
0xc6: {  	[sflag:s0] =	ssyncadd.remote.s32 $0x1  }
0xc7: {  	_ =	sfence.sel $0xFFFF  }
0xc8: {  	[dreg:$0x0] =	wrdreg $0xFFFFFFFF;
	(pc) =	sbr.abs _section_cstart, $3  }
0xc9: {  	[dreg:$0x1] =	wrdreg $0xFFFFFFFF  }
0xca: {  	_ =	task.clear_ibuf [dreg:s12], $0x2FFFF;
	_ =	strace $0x9FFFFFFF  }
0xcb: {  	(tm) =	ssettm $0x7FFFFFFF  }
tec
execute0_lowered:
.L_overlay_start_1:
0x0: {  	(tag) =	ssettag $0x1  }
0x1: {  	s0 =	rddreg [dreg:$0x0]  }
0x2: {  	s10 =	rddreg [dreg:$0x1]  }
0x3: {  	s3 =	rddreg [dreg:$0x2]  }
0x4: {  	s1 =	rddreg [dreg:$0x3]  }
0x5: {  	s2 =	srdreg.scid;
	s4 =	rddreg [dreg:$0x4]  }
0x6: {  	s7 =	stileid.u32;
	s6 =	rddreg [dreg:$0x5];
	s31 =	simm.s32 $0x1  }
0x7: {  	s30 =	simm.s32 $0x2;
	s29 =	simm.s32 $0x3;
	s28 =	simm.s32 $0x4  }
0x8: {  	s9 =	simm.s32 $0xC400;
	s26 =	simm.s32 $0x5;
	s25 =	simm.s32 $0x6  }
0x9: {  	s24 =	simm.s32 $0x7;
	p0 =	por $0x0, $0x0;
	[dreg:$0x7] =	wrdreg s0  }
0xa: {  	s5 =	sand.u32 $0x1, s2;
	s7 =	sshll.u32 s7, $0x8;
	s2 =	simm.s32 $0x0  }
0xb: {  	s8 =	sshll.u32 s5, $0x7;
	[smem:$0x7FF] =	sst s2;
	s19 =	ssub.s32 $0x2, s5  }
0xc: {  	s5 =	simm.s32 $0xD;
	s7 =	sor.u32 s8, s7;
	_ =	strace $0x80000047  }
0xd: {  	s21 =	sshrl.u32 s19, $0x1;
	s8 =	sshrl.u32 s7, $0x3;
	s14 =	sshll.u32 s7, $0x4  }
0xe: {  	s7 =	simm.s32 $0x14400;
	s0 =	sadd.s32 s10, s8;
	s11 =	sadd.s32 s1, s8  }
0xf: {  	s18 =	sadd.s32 s4, s8;
	s6 =	sadd.s32 s6, s14;
	s1 =	ssub.s32 s19, s21  }
0x10: {  	s21 =	simm.s32 $0x180;
	s19 =	simm.s32 $0x200;
	[dreg:$0x8] =	wrdreg s0  }
0x11: {  	s10 =	simm.s32 $0x8400;
	[dreg:$0x9] =	wrdreg s11;
	s12 =	sadd.s32 $0x200, s18  }
0x12: {  	s8 =	simm.s32 $0x10400;
	s13 =	sadd.s32 $0x400, s18;
	[dreg:$0xa] =	wrdreg s12  }
0x13: {  	s14 =	simm.s32 $0xB;
	s15 =	sadd.s32 $0x600, s18;
	[dreg:$0xb] =	wrdreg s13  }
0x14: {  	s16 =	sadd.s32 $0x10000, s6;
	s17 =	sadd.s32 $0x20000, s6;
	[dreg:$0xc] =	wrdreg s15  }
0x15: {  	s20 =	sadd.s32 $0x30000, s6;
	s23 =	smax.u32 s1, $0x1;
	[dreg:$0xd] =	wrdreg s16  }
0x16: {  	s22 =	sadd.s32 $0x40000, s6;
	[dreg:$0xe] =	wrdreg s17;
	p1 =	sne.s32 s23, $0x1  }
.Ltmp0:
0x17: {  	s4 =	sadd.s32 $0x50000, s6;
	[dreg:$0xf] =	wrdreg s20;
	(pc) =	sbr.rel @!p1 .LBB2_3-.Ltmp0, $4  }
0x18: {  	s11 =	simm.s32 $0xC;
	[dreg:$0x10] =	wrdreg s22;
	s13 =	simm.s32 $0x80  }
0x19: {  	s22 =	simm.s32 $0x100;
	s16 =	simm.s32 $0x280;
	s15 =	simm.s32 $0x400  }
0x1a: {  	s12 =	simm.s32 $0x4400;
	s1 =	sadd.s32 $0xFFFFFFFF, s23;
	s23 =	simm.s32 $0x8  }
0x1b: {  	s20 =	simm.s32 $0x9;
	s17 =	simm.s32 $0xA;
	s0 =	rddreg [dreg:$0x8]  }
0x1c: {  	[dreg:$0x11] =	wrdreg s1  }
0x1d: {  	[tilespmem:s2], [sflag:$0x1] =	stream.linear.gather [hbm4b:s0+s2], $0x80, $0x38;
	[tilespmem:$0x18400] =	vst v63  }
0x1e: {  	s1 =	rddreg [dreg:$0x9]  }
0x1f: {  	[tilespmem:s13], [sflag:$0x2] =	stream.linear.gather [hbm4b:s1+s2], $0x80, $0x38;
	[tilespmem:$0x18400] =	vst v63  }
0x20: {  	_ = 	snop  }
0x21: {  	[tilespmem:s22], [sflag:$0x3] =	stream.linear.gather [hbm4b:s18+s2], $0x80, $0x38;
	[tilespmem:$0x18400] =	vst v63  }
0x22: {  	s0 =	rddreg [dreg:$0xa]  }
0x23: {  	[tilespmem:s21], [sflag:$0x4] =	stream.linear.gather [hbm4b:s0+s2], $0x80, $0x38;
	[tilespmem:$0x18400] =	vst v63  }
0x24: {  	s1 =	rddreg [dreg:$0xb]  }
0x25: {  	[tilespmem:s19], [sflag:$0x5] =	stream.linear.gather [hbm4b:s1+s2], $0x80, $0x38;
	[tilespmem:$0x18400] =	vst v63  }
0x26: {  	s0 =	rddreg [dreg:$0xc]  }
0x27: {  	[tilespmem:s16], [sflag:$0x6] =	stream.linear.gather [hbm4b:s0+s2], $0x80, $0x38;
	[tilespmem:$0x18400] =	vst v63  }
0x28: {  	_ =	swait.ge [sflag:s31], $0x80  }
0x29: {  	[sflag:s31] =	ssyncset.done $0x0  }
0x2a: {  	s1 =	rddreg [dreg:$0x7];
	[sflag:s31] =	ssyncadd.s32 $0xFFFFFF80  }
0x2b: {  	[tilespmem:s15], [sflag:$0x7] =	stream.indirect.gather [hbm4b:s1+s13], $0x80, s2, s13, $0xb8;
	[tilespmem:$0x18400] =	vst v63  }
0x2c: {  	_ =	swait.ge [sflag:s30], $0x80  }
0x2d: {  	[sflag:s30] =	ssyncset.done $0x0  }
0x2e: {  	[sflag:s30] =	ssyncadd.s32 $0xFFFFFF80  }
0x2f: {  	[tilespmem:s12], [sflag:$0x8] =	stream.indirect.gather [hbm4b:s3+s13], $0x80, s13, s13, $0xb8;
	[tilespmem:$0x18400] =	vst v63  }
0x30: {  	_ =	swait.ge [sflag:s29], $0x80  }
0x31: {  	[sflag:s29] =	ssyncset.done $0x0  }
0x32: {  	[sflag:s29] =	ssyncadd.s32 $0xFFFFFF80  }
0x33: {  	[tilespmem:s10], [sflag:$0x9] =	stream.indirect.gather [hbm4b:s3+s13], $0x80, s22, s13, $0xb8;
	[tilespmem:$0x18400] =	vst v63  }
0x34: {  	_ =	swait.ge [sflag:s28], $0x80  }
0x35: {  	[sflag:s28] =	ssyncset.done $0x0  }
0x36: {  	[sflag:s28] =	ssyncadd.s32 $0xFFFFFF80  }
0x37: {  	[tilespmem:s9], [sflag:$0xA] =	stream.indirect.gather [hbm4b:s3+s13], $0x80, s21, s13, $0xb8;
	[tilespmem:$0x18400] =	vst v63  }
0x38: {  	_ =	swait.ge [sflag:s26], $0x80  }
0x39: {  	[sflag:s26] =	ssyncset.done $0x0  }
0x3a: {  	[sflag:s26] =	ssyncadd.s32 $0xFFFFFF80  }
0x3b: {  	[tilespmem:s8], [sflag:$0xB] =	stream.indirect.gather [hbm4b:s3+s13], $0x80, s19, s13, $0xb8;
	[tilespmem:$0x18400] =	vst v63  }
0x3c: {  	_ =	swait.ge [sflag:s25], $0x80  }
0x3d: {  	[sflag:s25] =	ssyncset.done $0x0  }
0x3e: {  	[sflag:s25] =	ssyncadd.s32 $0xFFFFFF80  }
0x3f: {  	[tilespmem:s7], [sflag:$0xC] =	stream.indirect.gather [hbm4b:s3+s13], $0x80, s16, s13, $0xb8;
	[tilespmem:$0x18400] =	vst v63  }
0x40: {  	_ =	swait.ge [sflag:s24], $0x4000  }
0x41: {  	[sflag:s24] =	ssyncset.done $0x0  }
0x42: {  	[sflag:s24] =	ssyncadd.s32 $0xFFFFC000  }
0x43: {  	[hbm4b:s6+s2] =	stream.linear.scatter [tilespmem:s15], [sflag:$0xD], $0x4000, $0x38;
	[tilespmem:$0x18400] =	vst v63  }
0x44: {  	_ =	swait.ge [sflag:s23], $0x4000  }
0x45: {  	[sflag:s23] =	ssyncset.done $0x0  }
0x46: {  	s1 =	rddreg [dreg:$0xd];
	[sflag:s23] =	ssyncadd.s32 $0xFFFFC000  }
0x47: {  	[hbm4b:s1+s2] =	stream.linear.scatter [tilespmem:s12], [sflag:$0xD], $0x4000, $0x38;
	[tilespmem:$0x18400] =	vst v63  }
0x48: {  	_ =	swait.ge [sflag:s20], $0x4000  }
0x49: {  	[sflag:s20] =	ssyncset.done $0x0  }
0x4a: {  	s1 =	rddreg [dreg:$0xe];
	[sflag:s20] =	ssyncadd.s32 $0xFFFFC000  }
0x4b: {  	[hbm4b:s1+s2] =	stream.linear.scatter [tilespmem:s10], [sflag:$0xD], $0x4000, $0x38;
	[tilespmem:$0x18400] =	vst v63  }
0x4c: {  	_ =	swait.ge [sflag:s17], $0x4000  }
0x4d: {  	[sflag:s17] =	ssyncset.done $0x0  }
0x4e: {  	s1 =	rddreg [dreg:$0xf];
	[sflag:s17] =	ssyncadd.s32 $0xFFFFC000  }
0x4f: {  	[hbm4b:s1+s2] =	stream.linear.scatter [tilespmem:s9], [sflag:$0xD], $0x4000, $0x38;
	[tilespmem:$0x18400] =	vst v63  }
0x50: {  	_ =	swait.ge [sflag:s14], $0x4000  }
0x51: {  	[sflag:s14] =	ssyncset.done $0x0  }
0x52: {  	s1 =	rddreg [dreg:$0x10];
	[sflag:s14] =	ssyncadd.s32 $0xFFFFC000  }
0x53: {  	[hbm4b:s1+s2] =	stream.linear.scatter [tilespmem:s8], [sflag:$0xD], $0x4000, $0x38;
	[tilespmem:$0x18400] =	vst v63  }
0x54: {  	_ =	swait.ge [sflag:s11], $0x4000  }
0x55: {  	[sflag:s11] =	ssyncset.done $0x0  }
0x56: {  	[sflag:s11] =	ssyncadd.s32 $0xFFFFC000  }
0x57: {  	[hbm4b:s4+s2] =	stream.linear.scatter [tilespmem:s7], [sflag:$0xD], $0x4000, $0x38;
	[tilespmem:$0x18400] =	vst v63  }
0x58: {  	_ =	swait.ge [sflag:s5], $0x4000  }
0x59: {  	[sflag:s5] =	ssyncset.done $0x0  }
0x5a: {  	[sflag:s5] =	ssyncadd.s32 $0xFFFFC000  }
0x5b: {  	_ =	swait.ge [sflag:s5], $0x4000  }
0x5c: {  	[sflag:s5] =	ssyncset.done $0x0  }
0x5d: {  	[sflag:s5] =	ssyncadd.s32 $0xFFFFC000  }
0x5e: {  	_ =	swait.ge [sflag:s5], $0x4000  }
0x5f: {  	[sflag:s5] =	ssyncset.done $0x0  }
0x60: {  	[sflag:s5] =	ssyncadd.s32 $0xFFFFC000  }
0x61: {  	_ =	swait.ge [sflag:s5], $0x4000  }
0x62: {  	[sflag:s5] =	ssyncset.done $0x0  }
0x63: {  	[sflag:s5] =	ssyncadd.s32 $0xFFFFC000  }
0x64: {  	_ =	swait.ge [sflag:s5], $0x4000  }
0x65: {  	s1 =	rddreg [dreg:$0x11]  }
0x66: {  	p1 =	sne.s32 s1, $0x1  }
.Ltmp1:
0x67: {  	_ = 	snop;
	(pc) =	sbr.rel @!p1 .LBB2_3-.Ltmp1, $4  }
0x68: {  	[sflag:s5] =	ssyncset.done $0x0  }
0x69: {  	[sflag:s5] =	ssyncadd.s32 $0xFFFFC000  }
0x6a: {  	p0 =	por $0x1, $0x1;
	_ =	swait.ge [sflag:s5], $0x4000  }
0x6b: {  	s1 =	sadd.s32 $0xFFFFFFFF, s1;
	s0 =	rddreg [dreg:$0x8];
	[sflag:s5] =	ssyncset.done $0x0  }
.LBB2_2:
0x6c: {  	[sflag:s5] =	ssyncadd.s32 $0xFFFFC000  }
0x6d: {  	[tilespmem:s2], [sflag:$0x1] =	stream.linear.gather [hbm4b:s0+s2], $0x80, $0x38;
	[tilespmem:$0x18400] =	vst v63  }
0x6e: {  	s7 =	smov.u32 s6;
	s6 =	smov.u32 s4;
	s4 =	rddreg [dreg:$0x9]  }
0x6f: {  	[tilespmem:s13], [sflag:$0x2] =	stream.linear.gather [hbm4b:s4+s2], $0x80, $0x38;
	[tilespmem:$0x18400] =	vst v63  }
0x70: {  	_ = 	snop  }
0x71: {  	[tilespmem:s22], [sflag:$0x3] =	stream.linear.gather [hbm4b:s18+s2], $0x80, $0x38;
	[tilespmem:$0x18400] =	vst v63  }
0x72: {  	s0 =	rddreg [dreg:$0xa]  }
0x73: {  	[tilespmem:s21], [sflag:$0x4] =	stream.linear.gather [hbm4b:s0+s2], $0x80, $0x38;
	[tilespmem:$0x18400] =	vst v63  }
0x74: {  	s4 =	rddreg [dreg:$0xb]  }
0x75: {  	[tilespmem:s19], [sflag:$0x5] =	stream.linear.gather [hbm4b:s4+s2], $0x80, $0x38;
	[tilespmem:$0x18400] =	vst v63  }
0x76: {  	s0 =	rddreg [dreg:$0xc]  }
0x77: {  	[tilespmem:s16], [sflag:$0x6] =	stream.linear.gather [hbm4b:s0+s2], $0x80, $0x38;
	[tilespmem:$0x18400] =	vst v63  }
0x78: {  	_ =	swait.ge [sflag:s31], $0x80  }
0x79: {  	[sflag:s31] =	ssyncset.done $0x0  }
0x7a: {  	s0 =	rddreg [dreg:$0x7];
	[sflag:s31] =	ssyncadd.s32 $0xFFFFFF80  }
0x7b: {  	[tilespmem:s15], [sflag:$0x7] =	stream.indirect.gather [hbm4b:s0+s13], $0x80, s2, s13, $0xb8;
	[tilespmem:$0x18400] =	vst v63  }
0x7c: {  	_ =	swait.ge [sflag:s30], $0x80  }
0x7d: {  	[sflag:s30] =	ssyncset.done $0x0  }
0x7e: {  	[sflag:s30] =	ssyncadd.s32 $0xFFFFFF80  }
0x7f: {  	[tilespmem:s12], [sflag:$0x8] =	stream.indirect.gather [hbm4b:s3+s13], $0x80, s13, s13, $0xb8;
	[tilespmem:$0x18400] =	vst v63  }
0x80: {  	_ =	swait.ge [sflag:s29], $0x80  }
0x81: {  	[sflag:s29] =	ssyncset.done $0x0  }
0x82: {  	[sflag:s29] =	ssyncadd.s32 $0xFFFFFF80  }
0x83: {  	[tilespmem:s10], [sflag:$0x9] =	stream.indirect.gather [hbm4b:s3+s13], $0x80, s22, s13, $0xb8;
	[tilespmem:$0x18400] =	vst v63  }
0x84: {  	_ =	swait.ge [sflag:s28], $0x80  }
0x85: {  	[sflag:s28] =	ssyncset.done $0x0  }
0x86: {  	[sflag:s28] =	ssyncadd.s32 $0xFFFFFF80  }
0x87: {  	[tilespmem:s9], [sflag:$0xA] =	stream.indirect.gather [hbm4b:s3+s13], $0x80, s21, s13, $0xb8;
	[tilespmem:$0x18400] =	vst v63  }
0x88: {  	_ =	swait.ge [sflag:s26], $0x80  }
0x89: {  	[sflag:s26] =	ssyncset.done $0x0  }
0x8a: {  	[sflag:s26] =	ssyncadd.s32 $0xFFFFFF80  }
0x8b: {  	[tilespmem:s8], [sflag:$0xB] =	stream.indirect.gather [hbm4b:s3+s13], $0x80, s19, s13, $0xb8;
	[tilespmem:$0x18400] =	vst v63  }
0x8c: {  	_ =	swait.ge [sflag:s25], $0x80  }
0x8d: {  	s4 =	smov.u32 s6;
	[sflag:s25] =	ssyncset.done $0x0  }
0x8e: {  	s6 =	smov.u32 s7;
	s7 =	simm.s32 $0x14400;
	[sflag:s25] =	ssyncadd.s32 $0xFFFFFF80  }
0x8f: {  	[tilespmem:s7], [sflag:$0xC] =	stream.indirect.gather [hbm4b:s3+s13], $0x80, s16, s13, $0xb8;
	[tilespmem:$0x18400] =	vst v63  }
0x90: {  	_ =	swait.ge [sflag:s24], $0x4000  }
0x91: {  	[sflag:s24] =	ssyncset.done $0x0  }
0x92: {  	[sflag:s24] =	ssyncadd.s32 $0xFFFFC000  }
0x93: {  	[hbm4b:s6+s2] =	stream.linear.scatter [tilespmem:s15], [sflag:$0xD], $0x4000, $0x38;
	[tilespmem:$0x18400] =	vst v63  }
0x94: {  	_ =	swait.ge [sflag:s23], $0x4000  }
0x95: {  	[sflag:s23] =	ssyncset.done $0x0  }
0x96: {  	s0 =	rddreg [dreg:$0xd];
	[sflag:s23] =	ssyncadd.s32 $0xFFFFC000  }
0x97: {  	[hbm4b:s0+s2] =	stream.linear.scatter [tilespmem:s12], [sflag:$0xD], $0x4000, $0x38;
	[tilespmem:$0x18400] =	vst v63  }
0x98: {  	_ =	swait.ge [sflag:s20], $0x4000  }
0x99: {  	[sflag:s20] =	ssyncset.done $0x0  }
0x9a: {  	s0 =	rddreg [dreg:$0xe];
	[sflag:s20] =	ssyncadd.s32 $0xFFFFC000  }
0x9b: {  	[hbm4b:s0+s2] =	stream.linear.scatter [tilespmem:s10], [sflag:$0xD], $0x4000, $0x38;
	[tilespmem:$0x18400] =	vst v63  }
0x9c: {  	_ =	swait.ge [sflag:s17], $0x4000  }
0x9d: {  	[sflag:s17] =	ssyncset.done $0x0  }
0x9e: {  	s0 =	rddreg [dreg:$0xf];
	[sflag:s17] =	ssyncadd.s32 $0xFFFFC000  }
0x9f: {  	[hbm4b:s0+s2] =	stream.linear.scatter [tilespmem:s9], [sflag:$0xD], $0x4000, $0x38;
	[tilespmem:$0x18400] =	vst v63  }
0xa0: {  	_ =	swait.ge [sflag:s14], $0x4000  }
0xa1: {  	[sflag:s14] =	ssyncset.done $0x0  }
0xa2: {  	s0 =	rddreg [dreg:$0x10];
	[sflag:s14] =	ssyncadd.s32 $0xFFFFC000  }
0xa3: {  	[hbm4b:s0+s2] =	stream.linear.scatter [tilespmem:s8], [sflag:$0xD], $0x4000, $0x38;
	[tilespmem:$0x18400] =	vst v63  }
0xa4: {  	_ =	swait.ge [sflag:s11], $0x4000  }
0xa5: {  	[sflag:s11] =	ssyncset.done $0x0  }
0xa6: {  	[sflag:s11] =	ssyncadd.s32 $0xFFFFC000  }
0xa7: {  	[hbm4b:s4+s2] =	stream.linear.scatter [tilespmem:s7], [sflag:$0xD], $0x4000, $0x38;
	[tilespmem:$0x18400] =	vst v63  }
0xa8: {  	_ =	swait.ge [sflag:s5], $0x4000  }
0xa9: {  	[sflag:s5] =	ssyncset.done $0x0  }
0xaa: {  	[sflag:s5] =	ssyncadd.s32 $0xFFFFC000  }
0xab: {  	_ =	swait.ge [sflag:s5], $0x4000  }
0xac: {  	[sflag:s5] =	ssyncset.done $0x0  }
0xad: {  	[sflag:s5] =	ssyncadd.s32 $0xFFFFC000  }
0xae: {  	_ =	swait.ge [sflag:s5], $0x4000  }
0xaf: {  	[sflag:s5] =	ssyncset.done $0x0  }
0xb0: {  	[sflag:s5] =	ssyncadd.s32 $0xFFFFC000  }
0xb1: {  	_ =	swait.ge [sflag:s5], $0x4000  }
0xb2: {  	[sflag:s5] =	ssyncset.done $0x0  }
0xb3: {  	p1 =	sne.s32 s1, $0x1;
	[sflag:s5] =	ssyncadd.s32 $0xFFFFC000  }
.Ltmp2:
0xb4: {  	_ =	swait.ge [sflag:s5], $0x4000;
	(pc) =	sbr.rel @p1 .LBB2_2-.Ltmp2, $4  }
0xb5: {  	[sflag:s5] =	ssyncset.done $0x0  }
0xb6: {  	[sflag:s5] =	ssyncadd.s32 $0xFFFFC000  }
0xb7: {  	_ =	swait.ge [sflag:s5], $0x4000  }
0xb8: {  	s1 =	sadd.s32 $0xFFFFFFFF, s1;
	s0 =	rddreg [dreg:$0x8];
	[sflag:s5] =	ssyncset.done $0x0  }
.LBB2_3:
0xb9: {  	[sflag:s5] =	ssyncadd.s32 @p0 $0xFFFFC000  }
0xba: {  	[tilespmem:s2], [sflag:$0x1] =	stream.linear.gather [hbm4b:s0+s2], $0x80, $0x38;
	[tilespmem:$0x18400] =	vst v63  }
0xbb: {  	s1 =	rddreg [dreg:$0x9]  }
0xbc: {  	[tilespmem:s13], [sflag:$0x2] =	stream.linear.gather [hbm4b:s1+s2], $0x80, $0x38;
	[tilespmem:$0x18400] =	vst v63  }
0xbd: {  	_ = 	snop  }
0xbe: {  	[tilespmem:s22], [sflag:$0x3] =	stream.linear.gather [hbm4b:s18+s2], $0x80, $0x38;
	[tilespmem:$0x18400] =	vst v63  }
0xbf: {  	s0 =	rddreg [dreg:$0xa]  }
0xc0: {  	[tilespmem:s21], [sflag:$0x4] =	stream.linear.gather [hbm4b:s0+s2], $0x80, $0x38;
	[tilespmem:$0x18400] =	vst v63  }
0xc1: {  	s1 =	rddreg [dreg:$0xb]  }
0xc2: {  	[tilespmem:s19], [sflag:$0x5] =	stream.linear.gather [hbm4b:s1+s2], $0x80, $0x38;
	[tilespmem:$0x18400] =	vst v63  }
0xc3: {  	s18 =	rddreg [dreg:$0xc]  }
0xc4: {  	[tilespmem:s16], [sflag:$0x6] =	stream.linear.gather [hbm4b:s18+s2], $0x80, $0x38;
	[tilespmem:$0x18400] =	vst v63  }
0xc5: {  	_ =	swait.ge [sflag:s31], $0x80  }
0xc6: {  	[sflag:s31] =	ssyncset.done $0x0  }
0xc7: {  	s18 =	rddreg [dreg:$0x7];
	[sflag:s31] =	ssyncadd.s32 $0xFFFFFF80  }
0xc8: {  	[tilespmem:s15], [sflag:$0x7] =	stream.indirect.gather [hbm4b:s18+s13], $0x80, s2, s13, $0xb8;
	[tilespmem:$0x18400] =	vst v63  }
0xc9: {  	_ =	swait.ge [sflag:s30], $0x80  }
0xca: {  	[sflag:s30] =	ssyncset.done $0x0  }
0xcb: {  	[sflag:s30] =	ssyncadd.s32 $0xFFFFFF80  }
0xcc: {  	[tilespmem:s12], [sflag:$0x8] =	stream.indirect.gather [hbm4b:s3+s13], $0x80, s13, s13, $0xb8;
	[tilespmem:$0x18400] =	vst v63  }
0xcd: {  	_ =	swait.ge [sflag:s29], $0x80  }
0xce: {  	[sflag:s29] =	ssyncset.done $0x0  }
0xcf: {  	[sflag:s29] =	ssyncadd.s32 $0xFFFFFF80  }
0xd0: {  	[tilespmem:s10], [sflag:$0x9] =	stream.indirect.gather [hbm4b:s3+s13], $0x80, s22, s13, $0xb8;
	[tilespmem:$0x18400] =	vst v63  }
0xd1: {  	_ =	swait.ge [sflag:s28], $0x80  }
0xd2: {  	[sflag:s28] =	ssyncset.done $0x0  }
0xd3: {  	[sflag:s28] =	ssyncadd.s32 $0xFFFFFF80  }
0xd4: {  	[tilespmem:s9], [sflag:$0xA] =	stream.indirect.gather [hbm4b:s3+s13], $0x80, s21, s13, $0xb8;
	[tilespmem:$0x18400] =	vst v63  }
0xd5: {  	_ =	swait.ge [sflag:s26], $0x80  }
0xd6: {  	[sflag:s26] =	ssyncset.done $0x0  }
0xd7: {  	[sflag:s26] =	ssyncadd.s32 $0xFFFFFF80  }
0xd8: {  	[tilespmem:s8], [sflag:$0xB] =	stream.indirect.gather [hbm4b:s3+s13], $0x80, s19, s13, $0xb8;
	[tilespmem:$0x18400] =	vst v63  }
0xd9: {  	_ =	swait.ge [sflag:s25], $0x80  }
0xda: {  	[sflag:s25] =	ssyncset.done $0x0  }
0xdb: {  	[sflag:s25] =	ssyncadd.s32 $0xFFFFFF80  }
0xdc: {  	[tilespmem:s7], [sflag:$0xC] =	stream.indirect.gather [hbm4b:s3+s13], $0x80, s16, s13, $0xb8;
	[tilespmem:$0x18400] =	vst v63  }
0xdd: {  	_ =	swait.ge [sflag:s24], $0x4000  }
0xde: {  	[sflag:s24] =	ssyncset.done $0x0  }
0xdf: {  	[sflag:s24] =	ssyncadd.s32 $0xFFFFC000  }
0xe0: {  	[hbm4b:s6+s2] =	stream.linear.scatter [tilespmem:s15], [sflag:$0xD], $0x4000, $0x38;
	[tilespmem:$0x18400] =	vst v63  }
0xe1: {  	_ =	swait.ge [sflag:s23], $0x4000  }
0xe2: {  	[sflag:s23] =	ssyncset.done $0x0  }
0xe3: {  	s26 =	rddreg [dreg:$0xd];
	[sflag:s23] =	ssyncadd.s32 $0xFFFFC000  }
0xe4: {  	[hbm4b:s26+s2] =	stream.linear.scatter [tilespmem:s12], [sflag:$0xD], $0x4000, $0x38;
	[tilespmem:$0x18400] =	vst v63  }
0xe5: {  	_ =	swait.ge [sflag:s20], $0x4000  }
0xe6: {  	[sflag:s20] =	ssyncset.done $0x0  }
0xe7: {  	s28 =	rddreg [dreg:$0xe];
	[sflag:s20] =	ssyncadd.s32 $0xFFFFC000  }
0xe8: {  	[hbm4b:s28+s2] =	stream.linear.scatter [tilespmem:s10], [sflag:$0xD], $0x4000, $0x38;
	[tilespmem:$0x18400] =	vst v63  }
0xe9: {  	_ =	swait.ge [sflag:s17], $0x4000  }
0xea: {  	[sflag:s17] =	ssyncset.done $0x0  }
0xeb: {  	s29 =	rddreg [dreg:$0xf];
	[sflag:s17] =	ssyncadd.s32 $0xFFFFC000  }
0xec: {  	[hbm4b:s29+s2] =	stream.linear.scatter [tilespmem:s9], [sflag:$0xD], $0x4000, $0x38;
	[tilespmem:$0x18400] =	vst v63  }
0xed: {  	_ =	swait.ge [sflag:s14], $0x4000  }
0xee: {  	[sflag:s14] =	ssyncset.done $0x0  }
0xef: {  	s30 =	rddreg [dreg:$0x10];
	[sflag:s14] =	ssyncadd.s32 $0xFFFFC000  }
0xf0: {  	[hbm4b:s30+s2] =	stream.linear.scatter [tilespmem:s8], [sflag:$0xD], $0x4000, $0x38;
	[tilespmem:$0x18400] =	vst v63  }
0xf1: {  	_ =	swait.ge [sflag:s11], $0x4000  }
0xf2: {  	[sflag:s11] =	ssyncset.done $0x0  }
0xf3: {  	[sflag:s11] =	ssyncadd.s32 $0xFFFFC000  }
0xf4: {  	[hbm4b:s4+s2] =	stream.linear.scatter [tilespmem:s7], [sflag:$0xD], $0x4000, $0x38;
	[tilespmem:$0x18400] =	vst v63  }
0xf5: {  	_ =	swait.ge [sflag:s5], $0x4000  }
0xf6: {  	[sflag:s5] =	ssyncset.done $0x0  }
0xf7: {  	[sflag:s5] =	ssyncadd.s32 $0xFFFFC000  }
0xf8: {  	_ =	swait.ge [sflag:s5], $0x4000  }
0xf9: {  	[sflag:s5] =	ssyncset.done $0x0  }
0xfa: {  	[sflag:s5] =	ssyncadd.s32 $0xFFFFC000  }
0xfb: {  	_ =	swait.ge [sflag:s5], $0x4000  }
0xfc: {  	[sflag:s5] =	ssyncset.done $0x0  }
0xfd: {  	[sflag:s5] =	ssyncadd.s32 $0xFFFFC000  }
0xfe: {  	_ =	swait.ge [sflag:s5], $0x4000  }
0xff: {  	[sflag:s5] =	ssyncset.done $0x0  }
0x100: {  	[sflag:s5] =	ssyncadd.s32 $0xFFFFC000  }
0x101: {  	_ =	swait.ge [sflag:s5], $0x4000  }
0x102: {  	[sflag:s5] =	ssyncset.done $0x0  }
0x103: {  	[sflag:s5] =	ssyncadd.s32 $0xFFFFC000  }
0x104: {  	_ =	swait.ge [sflag:s5], $0x4000  }
0x105: {  	[sflag:s5] =	ssyncset.done $0x0  }
0x106: {  	[sflag:s5] =	ssyncadd.s32 $0xFFFFC000  }
0x107: {  	_ =	sfence.sel $0x180000  }
0x108: {  	[bflag:$0x0] =	sbarrier.arrive $0xFFFF  }
0x109: {  	_ =	strace $0x90000047  }
0x10a: {  	s31 =	stileid.u32;
	[bflag:$0x2] =	sbarrier.arrive $0xFFFF  }
0x10b: {  	p0 =	sne.s32 s31, $0x0;
	s0 =	rddreg [dreg:$0x6]  }
0x10c: {  	s0 =	sadd.s32 @!p0 $0x100000, s0  }
0x10d: {  	[sflag:s0] =	ssyncadd.tile.s32 @!p0 $0x1;
	_ =	shalt  }
.Lfunc_end2:
_tile_overlayer_lowered:
.L_overlay_start_2:
0x10e: {  	(tag) =	ssettag $0x2  }
0x10f: {  	s0 =	rddreg [dreg:$0x0];
	s2 =	stileid.u32  }
0x110: {  	s1 =	rddreg [dreg:$0x1];
	p0 =	sne.s32 s2, $0x0  }
0x111: {  	s3 =	rddreg [dreg:$0x2];
	[bflag:$0x3] =	sbarrier.arrive $0xFFFF;
	s2 =	simm.s32 @!p0 $0x1C0E  }
0x112: {  	[timem:s3], [sflag:s2] =	dma.local @!p0 [hbm:s0], s1  }
0x113: {  	s0 =	simm.s32 @!p0 $0xE  }
0x114: {  	_ =	swait.ge @!p0 [sflag:s0], s1  }
0x115: {  	s1 =	ssub.s32 @!p0 $0x0, s1;
	[sflag:s0] =	ssyncset.done @!p0 $0x0  }
0x116: {  	[sflag:s0] =	ssyncadd.s32 @!p0 s1  }
0x117: {  	[bflag:$0x3] =	sbarrier.arrive $0xFFFF  }
0x118: {  	_ =	shalt  }

</sc_bundles>
